<compile_context>
chip_gen: v7x
topology: tpu7x:2x2x1
jax: 0.10.2.dev20260603
libtpu: 0.0.44.dev20260713+nightly
codegen_flags: <defaults>
</compile_context>

<pallas_src>
import jax
import jax.numpy as jnp
from jax.experimental import pallas as pl
from jax.experimental.pallas import tpu as pltpu

_G = 8


def _body(ge_ref, rows_ref, qc_ref, x_ref, dw_ref, db_ref, uw_ref, o_ref):
    m = pl.program_id(0)
    g = pl.program_id(1)
    S = x_ref.shape[1]

    @pl.when(qc_ref[m, g] > 0)
    def _():
        rows = [rows_ref[m, g * _G + i] for i in range(_G)]
        xt = jnp.concatenate([x_ref[r] for r in rows], axis=0)
        z = jnp.dot(xt, dw_ref[0, 0], preferred_element_type=jnp.float32)
        z = z + db_ref[0, 0, 0][None, :]
        z = z * jax.nn.sigmoid(z)
        u = jnp.dot(z, uw_ref[0, 0], preferred_element_type=jnp.float32)
        for i in range(_G):
            o_ref[0, rows[i]] = u[i * S:(i + 1) * S]


def _routing(expert_index, N, NG):
    M, B = expert_index.shape
    order = jnp.argsort(expert_index, axis=1).astype(jnp.int32)
    se = jnp.take_along_axis(expert_index, order, axis=1).astype(jnp.int32)

    onehot = jax.nn.one_hot(expert_index, N, dtype=jnp.int32)
    counts = jnp.sum(onehot, axis=1)
    estart = jnp.cumsum(counts, axis=1) - counts
    gbefore = jnp.cumsum((counts + _G - 1) // _G, axis=1) \
        - (counts + _G - 1) // _G

    j = jnp.arange(B)[None, :]
    within = j - jnp.take_along_axis(estart, se, axis=1)
    gid = jnp.take_along_axis(gbefore, se, axis=1) + within // _G
    slot = within % _G

    rowid = jnp.arange(M)[:, None]
    ge = jnp.full((M, NG), -1, jnp.int32).at[rowid, gid].max(se)
    ge = jnp.where(ge < 0, se[:, -1:], ge)
    qc = jnp.zeros((M, NG), jnp.int32).at[rowid, gid].add(1)

    rows = jnp.zeros((M, NG * _G), jnp.int32).at[rowid, gid * _G + slot].set(order)
    gidx = jnp.arange(NG * _G)[None, :] // _G
    sidx = jnp.arange(NG * _G)[None, :] % _G
    qcg = jnp.take_along_axis(qc, gidx, axis=1)
    src = gidx * _G + jnp.where(qcg > 0, sidx % jnp.maximum(qcg, 1), 0)
    rows = jnp.take_along_axis(rows, src, axis=1)
    return ge, rows, qc


def kernel(x, expert_index, down_w, down_b, up_w):
    B, S, C = x.shape
    M, N, _, D = down_w.shape
    NG = (B + (_G - 1) * N) // _G

    ge, rows, qc = _routing(expert_index, N, NG)
    db4 = down_b.reshape(M, N, 1, D)

    grid_spec = pltpu.PrefetchScalarGridSpec(
        num_scalar_prefetch=3,
        grid=(M, NG),
        in_specs=[
            pl.BlockSpec((B, S, C), lambda m, g, ge, rw, qc: (0, 0, 0)),
            pl.BlockSpec((1, 1, C, D), lambda m, g, ge, rw, qc: (m, ge[m, g], 0, 0)),
            pl.BlockSpec((1, 1, 1, D), lambda m, g, ge, rw, qc: (m, ge[m, g], 0, 0)),
            pl.BlockSpec((1, 1, D, C), lambda m, g, ge, rw, qc: (m, ge[m, g], 0, 0)),
        ],
        out_specs=pl.BlockSpec((1, B, S, C), lambda m, g, ge, rw, qc: (m, 0, 0, 0)),
    )

    out = pl.pallas_call(
        _body,
        grid_spec=grid_spec,
        out_shape=jax.ShapeDtypeStruct((M, B, S, C), jnp.float32),
        compiler_params=pltpu.CompilerParams(
            dimension_semantics=("arbitrary", "arbitrary"),
        ),
    )(ge, rows, qc, x, down_w, db4, up_w)
    return out

# --- scband reference (transcript-rebuilt; emitter-appended) ---
"""Pipeline reference for scband-adapter-controller-55104430408056 (READ-ONLY COPY).

The authoritative reference and input builder live on the scoring server;
editing this copy changes nothing except your own understanding.
"""

import jax, jax.numpy as jnp
import numpy as np

M = 8      # num_routers
N = 64     # num_adapters (experts)
C = 1024   # model_dim
D = 64     # down_sample_size = model_dim // reduction_factor
B = 128    # batch
S = 8      # seq_len (q_len)


def setup_inputs(seed: int = 0) -> dict:
    key = jax.random.key(seed)
    k1, k2, k3, k4 = jax.random.split(key, 4)
    x = jax.random.normal(k1, (B, S, C), dtype=jnp.float32)
    expert_index = jax.random.randint(k2, (M, B), 0, N, dtype=jnp.int32)
    # learned parameters sized per init_kwargs
    down_w = 0.01 * jax.random.normal(k3, (M, N, C, D), dtype=jnp.float32)
    down_b = jnp.zeros((M, N, D), dtype=jnp.float32)
    up_w = 0.01 * jax.random.normal(k4, (M, N, D, C), dtype=jnp.float32)
    return {"x": x, "expert_index": expert_index, "down_w": down_w, "down_b": down_b, "up_w": up_w}


def reference(x, expert_index, down_w, down_b, up_w):
    # hard-routing path (prob_dist=None, expert_index is a tensor):
    # gather per-(router, sample) adapter weights, swish-activated bottleneck MLP
    Midx = jnp.arange(M)[:, None]                 # [M, 1]
    bw = down_w[Midx, expert_index]               # [M, B, C, D]  gather over expert dim
    bb = down_b[Midx, expert_index]               # [M, B, D]
    z = jnp.matmul(x[None, :, :, :], bw) + bb[:, :, None, :]   # [M, B, S, D]
    z = z * jax.nn.sigmoid(z)                     # swish activation
    bu = up_w[Midx, expert_index]                 # [M, B, D, C]
    u = jnp.matmul(z, bu)                         # [M, B, S, C]
    return u

if __name__ == "__main__":
    import jax
    _d = setup_inputs()
    print(jax.jit(kernel)(*tuple(_d.values())))

</pallas_src>

<mosaic_0001>
module attributes {stable_mosaic.version = 14 : i64} {
  func.func @_body(%arg0: i32, %arg1: i32, %arg2: memref<8x72xi32, #tpu.memory_space<smem>>, %arg3: memref<8x576xi32, #tpu.memory_space<smem>>, %arg4: memref<8x72xi32, #tpu.memory_space<smem>>, %arg5: memref<128x8x1024xf32, #tpu.memory_space<vmem>>, %arg6: memref<1x1x1024x64xf32, #tpu.memory_space<vmem>>, %arg7: memref<1x1x1x64xf32, #tpu.memory_space<vmem>>, %arg8: memref<1x1x64x1024xf32, #tpu.memory_space<vmem>>, %arg9: memref<1x128x8x1024xf32, #tpu.memory_space<vmem>>) attributes {dimension_semantics = [#tpu.dimension_semantics<arbitrary>, #tpu.dimension_semantics<arbitrary>], iteration_bounds = array<i64: 8, 72>, scalar_prefetch = 3 : i64, scratch_operands = 0 : i64, tpu.core_type = #tpu.core_type<tc>, window_params = [{pipeline_mode = #tpu.pipeline_mode<synchronous>, transform_indices = @transform_0, window_bounds = array<i64: 128, 8, 1024>}, {transform_indices = @transform_1, window_bounds = array<i64: 1, 1, 1024, 64>}, {transform_indices = @transform_2, window_bounds = array<i64: 1, 1, 1, 64>}, {transform_indices = @transform_3, window_bounds = array<i64: 1, 1, 64, 1024>}, {transform_indices = @transform_4, window_bounds = array<i64: 1, 128, 8, 1024>}]} {
    %get3A = arith.index_cast %arg0 : i32 to index
    %get3A_0 = arith.index_cast %arg1 : i32 to index
    %get3A_1 = memref.load %arg4[%get3A, %get3A_0] : memref<8x72xi32, #tpu.memory_space<smem>>
    %gt3A = arith.constant 0 : i32
    %gt3A_2 = arith.cmpi sgt, %get3A_1, %gt3A : i32
    %convert_element_type3A = arith.extui %gt3A_2 : i1 to i32
    %cond3A = arith.constant 0 : i32
    %cond3A_3 = arith.cmpi ne, %convert_element_type3A, %cond3A : i32
    scf.if %cond3A_3 {
      %mul3A = arith.constant 8 : i32
      %mul3A_4 = arith.muli %arg1, %mul3A : i32
      %add3A = arith.constant 0 : i32
      %add3A_5 = arith.addi %mul3A_4, %add3A : i32
      %get3A_6 = arith.index_cast %arg0 : i32 to index
      %get3A_7 = arith.index_cast %add3A_5 : i32 to index
      %get3A_8 = memref.load %arg3[%get3A_6, %get3A_7] : memref<8x576xi32, #tpu.memory_space<smem>>
      %mul3A_9 = arith.constant 8 : i32
      %mul3A_10 = arith.muli %arg1, %mul3A_9 : i32
      %add3A_11 = arith.constant 1 : i32
      %add3A_12 = arith.addi %mul3A_10, %add3A_11 : i32
      %get3A_13 = arith.index_cast %arg0 : i32 to index
      %get3A_14 = arith.index_cast %add3A_12 : i32 to index
      %get3A_15 = memref.load %arg3[%get3A_13, %get3A_14] : memref<8x576xi32, #tpu.memory_space<smem>>
      %mul3A_16 = arith.constant 8 : i32
      %mul3A_17 = arith.muli %arg1, %mul3A_16 : i32
      %add3A_18 = arith.constant 2 : i32
      %add3A_19 = arith.addi %mul3A_17, %add3A_18 : i32
      %get3A_20 = arith.index_cast %arg0 : i32 to index
      %get3A_21 = arith.index_cast %add3A_19 : i32 to index
      %get3A_22 = memref.load %arg3[%get3A_20, %get3A_21] : memref<8x576xi32, #tpu.memory_space<smem>>
      %mul3A_23 = arith.constant 8 : i32
      %mul3A_24 = arith.muli %arg1, %mul3A_23 : i32
      %add3A_25 = arith.constant 3 : i32
      %add3A_26 = arith.addi %mul3A_24, %add3A_25 : i32
      %get3A_27 = arith.index_cast %arg0 : i32 to index
      %get3A_28 = arith.index_cast %add3A_26 : i32 to index
      %get3A_29 = memref.load %arg3[%get3A_27, %get3A_28] : memref<8x576xi32, #tpu.memory_space<smem>>
      %mul3A_30 = arith.constant 8 : i32
      %mul3A_31 = arith.muli %arg1, %mul3A_30 : i32
      %add3A_32 = arith.constant 4 : i32
      %add3A_33 = arith.addi %mul3A_31, %add3A_32 : i32
      %get3A_34 = arith.index_cast %arg0 : i32 to index
      %get3A_35 = arith.index_cast %add3A_33 : i32 to index
      %get3A_36 = memref.load %arg3[%get3A_34, %get3A_35] : memref<8x576xi32, #tpu.memory_space<smem>>
      %mul3A_37 = arith.constant 8 : i32
      %mul3A_38 = arith.muli %arg1, %mul3A_37 : i32
      %add3A_39 = arith.constant 5 : i32
      %add3A_40 = arith.addi %mul3A_38, %add3A_39 : i32
      %get3A_41 = arith.index_cast %arg0 : i32 to index
      %get3A_42 = arith.index_cast %add3A_40 : i32 to index
      %get3A_43 = memref.load %arg3[%get3A_41, %get3A_42] : memref<8x576xi32, #tpu.memory_space<smem>>
      %mul3A_44 = arith.constant 8 : i32
      %mul3A_45 = arith.muli %arg1, %mul3A_44 : i32
      %add3A_46 = arith.constant 6 : i32
      %add3A_47 = arith.addi %mul3A_45, %add3A_46 : i32
      %get3A_48 = arith.index_cast %arg0 : i32 to index
      %get3A_49 = arith.index_cast %add3A_47 : i32 to index
      %get3A_50 = memref.load %arg3[%get3A_48, %get3A_49] : memref<8x576xi32, #tpu.memory_space<smem>>
      %mul3A_51 = arith.constant 8 : i32
      %mul3A_52 = arith.muli %arg1, %mul3A_51 : i32
      %add3A_53 = arith.constant 7 : i32
      %add3A_54 = arith.addi %mul3A_52, %add3A_53 : i32
      %get3A_55 = arith.index_cast %arg0 : i32 to index
      %get3A_56 = arith.index_cast %add3A_54 : i32 to index
      %get3A_57 = memref.load %arg3[%get3A_55, %get3A_56] : memref<8x576xi32, #tpu.memory_space<smem>>
      %get3A_58 = arith.index_cast %get3A_8 : i32 to index
      %get3A_59 = arith.constant 0 : index
      %get3A_60 = arith.constant 0 : index
      %get3A_61 = vector.load %arg5[%get3A_58, %get3A_59, %get3A_60] : memref<128x8x1024xf32, #tpu.memory_space<vmem>>, vector<1x8x1024xf32>
      %get3A_62 = vector.shape_cast %get3A_61 : vector<1x8x1024xf32> to vector<8x1024xf32>
      %get3A_63 = arith.index_cast %get3A_15 : i32 to index
      %get3A_64 = arith.constant 0 : index
      %get3A_65 = arith.constant 0 : index
      %get3A_66 = vector.load %arg5[%get3A_63, %get3A_64, %get3A_65] : memref<128x8x1024xf32, #tpu.memory_space<vmem>>, vector<1x8x1024xf32>
      %get3A_67 = vector.shape_cast %get3A_66 : vector<1x8x1024xf32> to vector<8x1024xf32>
      %get3A_68 = arith.index_cast %get3A_22 : i32 to index
      %get3A_69 = arith.constant 0 : index
      %get3A_70 = arith.constant 0 : index
      %get3A_71 = vector.load %arg5[%get3A_68, %get3A_69, %get3A_70] : memref<128x8x1024xf32, #tpu.memory_space<vmem>>, vector<1x8x1024xf32>
      %get3A_72 = vector.shape_cast %get3A_71 : vector<1x8x1024xf32> to vector<8x1024xf32>
      %get3A_73 = arith.index_cast %get3A_29 : i32 to index
      %get3A_74 = arith.constant 0 : index
      %get3A_75 = arith.constant 0 : index
      %get3A_76 = vector.load %arg5[%get3A_73, %get3A_74, %get3A_75] : memref<128x8x1024xf32, #tpu.memory_space<vmem>>, vector<1x8x1024xf32>
      %get3A_77 = vector.shape_cast %get3A_76 : vector<1x8x1024xf32> to vector<8x1024xf32>
      %get3A_78 = arith.index_cast %get3A_36 : i32 to index
      %get3A_79 = arith.constant 0 : index
      %get3A_80 = arith.constant 0 : index
      %get3A_81 = vector.load %arg5[%get3A_78, %get3A_79, %get3A_80] : memref<128x8x1024xf32, #tpu.memory_space<vmem>>, vector<1x8x1024xf32>
      %get3A_82 = vector.shape_cast %get3A_81 : vector<1x8x1024xf32> to vector<8x1024xf32>
      %get3A_83 = arith.index_cast %get3A_43 : i32 to index
      %get3A_84 = arith.constant 0 : index
      %get3A_85 = arith.constant 0 : index
      %get3A_86 = vector.load %arg5[%get3A_83, %get3A_84, %get3A_85] : memref<128x8x1024xf32, #tpu.memory_space<vmem>>, vector<1x8x1024xf32>
      %get3A_87 = vector.shape_cast %get3A_86 : vector<1x8x1024xf32> to vector<8x1024xf32>
      %get3A_88 = arith.index_cast %get3A_50 : i32 to index
      %get3A_89 = arith.constant 0 : index
      %get3A_90 = arith.constant 0 : index
      %get3A_91 = vector.load %arg5[%get3A_88, %get3A_89, %get3A_90] : memref<128x8x1024xf32, #tpu.memory_space<vmem>>, vector<1x8x1024xf32>
      %get3A_92 = vector.shape_cast %get3A_91 : vector<1x8x1024xf32> to vector<8x1024xf32>
      %get3A_93 = arith.index_cast %get3A_57 : i32 to index
      %get3A_94 = arith.constant 0 : index
      %get3A_95 = arith.constant 0 : index
      %get3A_96 = vector.load %arg5[%get3A_93, %get3A_94, %get3A_95] : memref<128x8x1024xf32, #tpu.memory_space<vmem>>, vector<1x8x1024xf32>
      %get3A_97 = vector.shape_cast %get3A_96 : vector<1x8x1024xf32> to vector<8x1024xf32>
      %concatenate3A = tpu.concatenate %get3A_62, %get3A_67, %get3A_72, %get3A_77, %get3A_82, %get3A_87, %get3A_92, %get3A_97 in 0 : vector<8x1024xf32>, vector<8x1024xf32>, vector<8x1024xf32>, vector<8x1024xf32>, vector<8x1024xf32>, vector<8x1024xf32>, vector<8x1024xf32>, vector<8x1024xf32> -> vector<64x1024xf32>
      %get3A_98 = arith.constant 0 : index
      %get3A_99 = arith.constant 0 : index
      %get3A_100 = arith.constant 0 : index
      %get3A_101 = arith.constant 0 : index
      %get3A_102 = vector.load %arg6[%get3A_98, %get3A_99, %get3A_100, %get3A_101] : memref<1x1x1024x64xf32, #tpu.memory_space<vmem>>, vector<1x1x1024x64xf32>
      %get3A_103 = vector.shape_cast %get3A_102 : vector<1x1x1024x64xf32> to vector<1024x64xf32>
      %dot_general3A = arith.constant dense<0.000000e+00> : vector<64x64xf32>
      %dot_general3A_104 = tpu.matmul %concatenate3A, %get3A_103, %dot_general3A {dimension_numbers = #tpu.dot_dimension_numbers<[1], [0], [0], [1], [0, 0, 1, 1], [], []>, transpose_lhs_hint = false} : vector<64x1024xf32>, vector<1024x64xf32>, vector<64x64xf32> -> vector<64x64xf32>
      %get3A_105 = arith.constant 0 : index
      %get3A_106 = arith.constant 0 : index
      %get3A_107 = arith.constant 0 : index
      %get3A_108 = arith.constant 0 : index
      %get3A_109 = vector.load %arg7[%get3A_105, %get3A_106, %get3A_107, %get3A_108] : memref<1x1x1x64xf32, #tpu.memory_space<vmem>>, vector<1x1x1x64xf32>
      %get3A_110 = vector.shape_cast %get3A_109 : vector<1x1x1x64xf32> to vector<64xf32>
      %broadcast_in_dim3A = vector.shape_cast %get3A_110 : vector<64xf32> to vector<1x64xf32>
      %add3A_111 = vector.broadcast %broadcast_in_dim3A : vector<1x64xf32> to vector<64x64xf32>
      %add3A_112 = arith.addf %dot_general3A_104, %add3A_111 : vector<64x64xf32>
      %logistic3A = arith.negf %add3A_112 : vector<64x64xf32>
      %logistic3A_113 = math.exp %logistic3A : vector<64x64xf32>
      %logistic3A_114 = arith.constant 1.000000e+00 : f32
      %logistic3A_115 = vector.broadcast %logistic3A_114 : f32 to vector<64x64xf32>
      %logistic3A_116 = arith.addf %logistic3A_115, %logistic3A_113 : vector<64x64xf32>
      %logistic3A_117 = arith.divf %logistic3A_115, %logistic3A_116 : vector<64x64xf32>
      %mul3A_118 = arith.mulf %add3A_112, %logistic3A_117 : vector<64x64xf32>
      %get3A_119 = arith.constant 0 : index
      %get3A_120 = arith.constant 0 : index
      %get3A_121 = arith.constant 0 : index
      %get3A_122 = arith.constant 0 : index
      %get3A_123 = vector.load %arg8[%get3A_119, %get3A_120, %get3A_121, %get3A_122] : memref<1x1x64x1024xf32, #tpu.memory_space<vmem>>, vector<1x1x64x1024xf32>
      %get3A_124 = vector.shape_cast %get3A_123 : vector<1x1x64x1024xf32> to vector<64x1024xf32>
      %dot_general3A_125 = arith.constant dense<0.000000e+00> : vector<64x1024xf32>
      %dot_general3A_126 = tpu.matmul %mul3A_118, %get3A_124, %dot_general3A_125 {dimension_numbers = #tpu.dot_dimension_numbers<[1], [0], [0], [1], [0, 0, 1, 1], [], []>, transpose_lhs_hint = false} : vector<64x64xf32>, vector<64x1024xf32>, vector<64x1024xf32> -> vector<64x1024xf32>
      %slice3A = vector.extract_strided_slice %dot_general3A_126 {offsets = [0, 0], sizes = [8, 1024], strides = [1, 1]} : vector<64x1024xf32> to vector<8x1024xf32>
      %swap3A = arith.constant 0 : index
      %swap3A_127 = arith.index_cast %get3A_8 : i32 to index
      %swap3A_128 = arith.constant 0 : index
      %swap3A_129 = arith.constant 0 : index
      %swap3A_130 = vector.load %arg9[%swap3A, %swap3A_127, %swap3A_128, %swap3A_129] : memref<1x128x8x1024xf32, #tpu.memory_space<vmem>>, vector<1x1x8x1024xf32>
      %swap3A_131 = vector.shape_cast %swap3A_130 : vector<1x1x8x1024xf32> to vector<8x1024xf32>
      %swap3A_132 = vector.shape_cast %slice3A : vector<8x1024xf32> to vector<1x1x8x1024xf32>
      tpu.vector_store %arg9[%swap3A, %swap3A_127, %swap3A_128, %swap3A_129], %swap3A_132 {strides = array<i32>} : memref<1x128x8x1024xf32, #tpu.memory_space<vmem>>, vector<1x1x8x1024xf32>,
      %slice3A_133 = vector.extract_strided_slice %dot_general3A_126 {offsets = [8, 0], sizes = [8, 1024], strides = [1, 1]} : vector<64x1024xf32> to vector<8x1024xf32>
      %swap3A_134 = arith.constant 0 : index
      %swap3A_135 = arith.index_cast %get3A_15 : i32 to index
      %swap3A_136 = arith.constant 0 : index
      %swap3A_137 = arith.constant 0 : index
      %swap3A_138 = vector.load %arg9[%swap3A_134, %swap3A_135, %swap3A_136, %swap3A_137] : memref<1x128x8x1024xf32, #tpu.memory_space<vmem>>, vector<1x1x8x1024xf32>
      %swap3A_139 = vector.shape_cast %swap3A_138 : vector<1x1x8x1024xf32> to vector<8x1024xf32>
      %swap3A_140 = vector.shape_cast %slice3A_133 : vector<8x1024xf32> to vector<1x1x8x1024xf32>
      tpu.vector_store %arg9[%swap3A_134, %swap3A_135, %swap3A_136, %swap3A_137], %swap3A_140 {strides = array<i32>} : memref<1x128x8x1024xf32, #tpu.memory_space<vmem>>, vector<1x1x8x1024xf32>,
      %slice3A_141 = vector.extract_strided_slice %dot_general3A_126 {offsets = [16, 0], sizes = [8, 1024], strides = [1, 1]} : vector<64x1024xf32> to vector<8x1024xf32>
      %swap3A_142 = arith.constant 0 : index
      %swap3A_143 = arith.index_cast %get3A_22 : i32 to index
      %swap3A_144 = arith.constant 0 : index
      %swap3A_145 = arith.constant 0 : index
      %swap3A_146 = vector.load %arg9[%swap3A_142, %swap3A_143, %swap3A_144, %swap3A_145] : memref<1x128x8x1024xf32, #tpu.memory_space<vmem>>, vector<1x1x8x1024xf32>
      %swap3A_147 = vector.shape_cast %swap3A_146 : vector<1x1x8x1024xf32> to vector<8x1024xf32>
      %swap3A_148 = vector.shape_cast %slice3A_141 : vector<8x1024xf32> to vector<1x1x8x1024xf32>
      tpu.vector_store %arg9[%swap3A_142, %swap3A_143, %swap3A_144, %swap3A_145], %swap3A_148 {strides = array<i32>} : memref<1x128x8x1024xf32, #tpu.memory_space<vmem>>, vector<1x1x8x1024xf32>,
      %slice3A_149 = vector.extract_strided_slice %dot_general3A_126 {offsets = [24, 0], sizes = [8, 1024], strides = [1, 1]} : vector<64x1024xf32> to vector<8x1024xf32>
      %swap3A_150 = arith.constant 0 : index
      %swap3A_151 = arith.index_cast %get3A_29 : i32 to index
      %swap3A_152 = arith.constant 0 : index
      %swap3A_153 = arith.constant 0 : index
      %swap3A_154 = vector.load %arg9[%swap3A_150, %swap3A_151, %swap3A_152, %swap3A_153] : memref<1x128x8x1024xf32, #tpu.memory_space<vmem>>, vector<1x1x8x1024xf32>
      %swap3A_155 = vector.shape_cast %swap3A_154 : vector<1x1x8x1024xf32> to vector<8x1024xf32>
      %swap3A_156 = vector.shape_cast %slice3A_149 : vector<8x1024xf32> to vector<1x1x8x1024xf32>
      tpu.vector_store %arg9[%swap3A_150, %swap3A_151, %swap3A_152, %swap3A_153], %swap3A_156 {strides = array<i32>} : memref<1x128x8x1024xf32, #tpu.memory_space<vmem>>, vector<1x1x8x1024xf32>,
      %slice3A_157 = vector.extract_strided_slice %dot_general3A_126 {offsets = [32, 0], sizes = [8, 1024], strides = [1, 1]} : vector<64x1024xf32> to vector<8x1024xf32>
      %swap3A_158 = arith.constant 0 : index
      %swap3A_159 = arith.index_cast %get3A_36 : i32 to index
      %swap3A_160 = arith.constant 0 : index
      %swap3A_161 = arith.constant 0 : index
      %swap3A_162 = vector.load %arg9[%swap3A_158, %swap3A_159, %swap3A_160, %swap3A_161] : memref<1x128x8x1024xf32, #tpu.memory_space<vmem>>, vector<1x1x8x1024xf32>
      %swap3A_163 = vector.shape_cast %swap3A_162 : vector<1x1x8x1024xf32> to vector<8x1024xf32>
      %swap3A_164 = vector.shape_cast %slice3A_157 : vector<8x1024xf32> to vector<1x1x8x1024xf32>
      tpu.vector_store %arg9[%swap3A_158, %swap3A_159, %swap3A_160, %swap3A_161], %swap3A_164 {strides = array<i32>} : memref<1x128x8x1024xf32, #tpu.memory_space<vmem>>, vector<1x1x8x1024xf32>,
      %slice3A_165 = vector.extract_strided_slice %dot_general3A_126 {offsets = [40, 0], sizes = [8, 1024], strides = [1, 1]} : vector<64x1024xf32> to vector<8x1024xf32>
      %swap3A_166 = arith.constant 0 : index
      %swap3A_167 = arith.index_cast %get3A_43 : i32 to index
      %swap3A_168 = arith.constant 0 : index
      %swap3A_169 = arith.constant 0 : index
      %swap3A_170 = vector.load %arg9[%swap3A_166, %swap3A_167, %swap3A_168, %swap3A_169] : memref<1x128x8x1024xf32, #tpu.memory_space<vmem>>, vector<1x1x8x1024xf32>
      %swap3A_171 = vector.shape_cast %swap3A_170 : vector<1x1x8x1024xf32> to vector<8x1024xf32>
      %swap3A_172 = vector.shape_cast %slice3A_165 : vector<8x1024xf32> to vector<1x1x8x1024xf32>
      tpu.vector_store %arg9[%swap3A_166, %swap3A_167, %swap3A_168, %swap3A_169], %swap3A_172 {strides = array<i32>} : memref<1x128x8x1024xf32, #tpu.memory_space<vmem>>, vector<1x1x8x1024xf32>,
      %slice3A_173 = vector.extract_strided_slice %dot_general3A_126 {offsets = [48, 0], sizes = [8, 1024], strides = [1, 1]} : vector<64x1024xf32> to vector<8x1024xf32>
      %swap3A_174 = arith.constant 0 : index
      %swap3A_175 = arith.index_cast %get3A_50 : i32 to index
      %swap3A_176 = arith.constant 0 : index
      %swap3A_177 = arith.constant 0 : index
      %swap3A_178 = vector.load %arg9[%swap3A_174, %swap3A_175, %swap3A_176, %swap3A_177] : memref<1x128x8x1024xf32, #tpu.memory_space<vmem>>, vector<1x1x8x1024xf32>
      %swap3A_179 = vector.shape_cast %swap3A_178 : vector<1x1x8x1024xf32> to vector<8x1024xf32>
      %swap3A_180 = vector.shape_cast %slice3A_173 : vector<8x1024xf32> to vector<1x1x8x1024xf32>
      tpu.vector_store %arg9[%swap3A_174, %swap3A_175, %swap3A_176, %swap3A_177], %swap3A_180 {strides = array<i32>} : memref<1x128x8x1024xf32, #tpu.memory_space<vmem>>, vector<1x1x8x1024xf32>,
      %slice3A_181 = vector.extract_strided_slice %dot_general3A_126 {offsets = [56, 0], sizes = [8, 1024], strides = [1, 1]} : vector<64x1024xf32> to vector<8x1024xf32>
      %swap3A_182 = arith.constant 0 : index
      %swap3A_183 = arith.index_cast %get3A_57 : i32 to index
      %swap3A_184 = arith.constant 0 : index
      %swap3A_185 = arith.constant 0 : index
      %swap3A_186 = vector.load %arg9[%swap3A_182, %swap3A_183, %swap3A_184, %swap3A_185] : memref<1x128x8x1024xf32, #tpu.memory_space<vmem>>, vector<1x1x8x1024xf32>
      %swap3A_187 = vector.shape_cast %swap3A_186 : vector<1x1x8x1024xf32> to vector<8x1024xf32>
      %swap3A_188 = vector.shape_cast %slice3A_181 : vector<8x1024xf32> to vector<1x1x8x1024xf32>
      tpu.vector_store %arg9[%swap3A_182, %swap3A_183, %swap3A_184, %swap3A_185], %swap3A_188 {strides = array<i32>} : memref<1x128x8x1024xf32, #tpu.memory_space<vmem>>, vector<1x1x8x1024xf32>,
    } else {
    }
    return
  }
  func.func @transform_0(%arg0: i32, %arg1: i32, %arg2: memref<8x72xi32, #tpu.memory_space<smem>>, %arg3: memref<8x576xi32, #tpu.memory_space<smem>>, %arg4: memref<8x72xi32, #tpu.memory_space<smem>>) -> (i32, i32, i32) {
    %c0_i32 = arith.constant 0 : i32
    %c0_i32_0 = arith.constant 0 : i32
    %c0_i32_1 = arith.constant 0 : i32
    %c0_i32_2 = arith.constant 0 : i32
    return %c0_i32, %c0_i32_0, %c0_i32_1 : i32, i32, i32
  }
  func.func @transform_1(%arg0: i32, %arg1: i32, %arg2: memref<8x72xi32, #tpu.memory_space<smem>>, %arg3: memref<8x576xi32, #tpu.memory_space<smem>>, %arg4: memref<8x72xi32, #tpu.memory_space<smem>>) -> (i32, i32, i32, i32) {
    %get3A = arith.index_cast %arg0 : i32 to index
    %get3A_0 = arith.index_cast %arg1 : i32 to index
    %get3A_1 = memref.load %arg2[%get3A, %get3A_0] : memref<8x72xi32, #tpu.memory_space<smem>>
    %c0_i32 = arith.constant 0 : i32
    %c0_i32_2 = arith.constant 0 : i32
    %c0_i32_3 = arith.constant 0 : i32
    return %arg0, %get3A_1, %c0_i32, %c0_i32_2 : i32, i32, i32, i32
  }
  func.func @transform_2(%arg0: i32, %arg1: i32, %arg2: memref<8x72xi32, #tpu.memory_space<smem>>, %arg3: memref<8x576xi32, #tpu.memory_space<smem>>, %arg4: memref<8x72xi32, #tpu.memory_space<smem>>) -> (i32, i32, i32, i32) {
    %get3A = arith.index_cast %arg0 : i32 to index
    %get3A_0 = arith.index_cast %arg1 : i32 to index
    %get3A_1 = memref.load %arg2[%get3A, %get3A_0] : memref<8x72xi32, #tpu.memory_space<smem>>
    %c0_i32 = arith.constant 0 : i32
    %c0_i32_2 = arith.constant 0 : i32
    %c0_i32_3 = arith.constant 0 : i32
    return %arg0, %get3A_1, %c0_i32, %c0_i32_2 : i32, i32, i32, i32
  }
  func.func @transform_3(%arg0: i32, %arg1: i32, %arg2: memref<8x72xi32, #tpu.memory_space<smem>>, %arg3: memref<8x576xi32, #tpu.memory_space<smem>>, %arg4: memref<8x72xi32, #tpu.memory_space<smem>>) -> (i32, i32, i32, i32) {
    %get3A = arith.index_cast %arg0 : i32 to index
    %get3A_0 = arith.index_cast %arg1 : i32 to index
    %get3A_1 = memref.load %arg2[%get3A, %get3A_0] : memref<8x72xi32, #tpu.memory_space<smem>>
    %c0_i32 = arith.constant 0 : i32
    %c0_i32_2 = arith.constant 0 : i32
    %c0_i32_3 = arith.constant 0 : i32
    return %arg0, %get3A_1, %c0_i32, %c0_i32_2 : i32, i32, i32, i32
  }
  func.func @transform_4(%arg0: i32, %arg1: i32, %arg2: memref<8x72xi32, #tpu.memory_space<smem>>, %arg3: memref<8x576xi32, #tpu.memory_space<smem>>, %arg4: memref<8x72xi32, #tpu.memory_space<smem>>) -> (i32, i32, i32, i32) {
    %c0_i32 = arith.constant 0 : i32
    %c0_i32_0 = arith.constant 0 : i32
    %c0_i32_1 = arith.constant 0 : i32
    %c0_i32_2 = arith.constant 0 : i32
    return %arg0, %c0_i32, %c0_i32_0, %c0_i32_1 : i32, i32, i32, i32
  }
}

</mosaic_0001>

<sc_bundles>
// kernel: gather_offload_async_start
scs
__scs_entry_jumppad:
0x0: {  	(pc) =	sbr.rel $0x88, $3  }
0x1: {  	(tag) =	ssettag $0x0;
	lr =	simm.s32 $0x1  }
0x2: {  	[smem:$0x3F9C] =	sst lr;
	_ =	strace $0xD0000000  }
0x3: {  	_ = 	snop  }
0x4: {  	_ = 	snop  }
0x5: {  	_ = 	snop  }
0x6: {  	_ = 	snop  }
0x7: {  	_ = 	snop  }
__scs_overlays_trampoline_lowered:
0x8: {  	[smem:$0x3FAB] =	sst s0  }
0x9: {  	[smem:$0x3FAC] =	sst s1  }
0xa: {  	[smem:$0x3FAD] =	sst s2  }
0xb: {  	[smem:$0x3FAE] =	sst s3  }
0xc: {  	[smem:$0x3FAF] =	sst s4  }
0xd: {  	[smem:$0x3FB0] =	sst s5  }
0xe: {  	[smem:$0x3FB1] =	sst s6  }
0xf: {  	[smem:$0x3FB2] =	sst s7  }
0x10: {  	[smem:$0x3FB3] =	sst s8  }
0x11: {  	[smem:$0x3FB4] =	sst s9;
	s0 =	simm.s32 @!p0 $0x0  }
0x12: {  	s1 =	sld [smem:$0x3F9A];
	s0 =	simm.s32 @p0 $0x1  }
0x13: {  	[smem:$0x3FB5] =	sst s0;
	s0 =	simm.s32 @!p1 $0x0  }
0x14: {  	s2 =	sld [smem:$0x3F99];
	s0 =	simm.s32 @p1 $0x1  }
0x15: {  	[smem:$0x3FB6] =	sst s0;
	s0 =	simm.s32 @!p2 $0x0  }
0x16: {  	s3 =	sld [smem:$0x3FDB];
	s0 =	simm.s32 @p2 $0x1  }
0x17: {  	s4 =	simm.s32 $0x1BF5;
	[smem:$0x3FB8] =	sst s0  }
0x18: {  	s0 =	sld [smem:$0x3F9B];
	_ =	swait.ge [sflag:s4], $0x0  }
0x19: {  	s7 =	sld [smem:$0x3F9C]  }
0x1a: {  	s8 =	sadd.s32 $0xFFFFE003, lr  }
0x1b: {  	s9 =	sadd.s32 $0xFFFFFEF7, lr;
	s5 =	simm.s32 $0xFFFFFFFF;
	p2 =	slt.u32 s8, $0xFFFFF086  }
0x1c: {  	p1 =	slt.u32 s9, $0xF7A;
	s5 =	simm.s32 @!p2 $0x0  }
0x1d: {  	s5 =	simm.s32 @p1 $0x1;
	p0 =	seq.s32 s7, s2  }
0x1e: {  	s7 =	smul.u32 @!p0 $0xF7A, s2;
	p2 =	seq.s32 @!p0 s5, $0x0  }
0x1f: {  	s9 =	smul.u32 $0xF7A, s1;
	s8 =	simm.s32 @!p0 $0x1BF5;
	p2 =	por !p2, p0  }
0x20: {  	[sflag:s8] =	ssyncset.s32 @!p0 $0xFFFFF086;
	s6 =	sadd.s32 @!p0 s3, s7;
	s7 =	simm.s32 @!p0 $0x108  }
0x21: {  	s3 =	sadd.s32 s3, s9;
	s6 =	sadd.s32 @!p0 $0x88, s6;
	s7 =	simm.s32 @p2 $0x1082  }
0x22: {  	[simem:s7], [sflag:s8] =	dma.local @!p0 [hbm:s6], $0xF7A  }
0x23: {  	s9 =	sor.u32 $0xD0000000, s2;
	s6 =	simm.s32 $0x108;
	_ =	swait.ge @!p0 [sflag:s8], $0x0  }
0x24: {  	s3 =	sadd.s32 $0x88, s3;
	s6 =	simm.s32 @!p1 $0x1082;
	[sflag:s4] =	ssyncset.s32 $0xFFFFF086  }
0x25: {  	[simem:s6], [sflag:s4] =	dma.local [hbm:s3], $0xF7A  }
0x26: {  	[smem:$0x3F9C] =	sst s1;
	(tag) =	ssettag s2;
	_ =	strace s9  }
0x27: {  	s1 =	sld [smem:$0x3FAC]  }
0x28: {  	s2 =	sld [smem:$0x3FAD]  }
0x29: {  	s4 =	sld [smem:$0x3FAF]  }
0x2a: {  	p0 =	seq.s32 s5, $0x0;
	s5 =	sld [smem:$0x3FB0]  }
0x2b: {  	s6 =	sld [smem:$0x3FB1]  }
0x2c: {  	s7 =	sld [smem:$0x3FB2]  }
0x2d: {  	s3 =	simm.s32 $0x108;
	s8 =	sld [smem:$0x3FB3]  }
0x2e: {  	s3 =	simm.s32 @!p0 $0x1082;
	s9 =	sld [smem:$0x3FB4]  }
0x2f: {  	lr =	sadd.s32 s0, s3;
	s0 =	sld [smem:$0x3FAB]  }
0x30: {  	s3 =	sld [smem:$0x3FAE]  }
0x31: {  	[smem:$0x3FB7] =	sst s10  }
0x32: {  	s10 =	sld [smem:$0x3FB5];
	_ =	sdelay $0x3  }
0x33: {  	p0 =	seq.s32 s10, $0x1;
	s10 =	sld [smem:$0x3FB7];
	_ =	sdelay $0x3  }
0x34: {  	[smem:$0x3FB7] =	sst s10  }
0x35: {  	s10 =	sld [smem:$0x3FB6];
	_ =	sdelay $0x3  }
0x36: {  	p1 =	seq.s32 s10, $0x1;
	s10 =	sld [smem:$0x3FB7];
	_ =	sdelay $0x3  }
0x37: {  	[smem:$0x3FB7] =	sst s10  }
0x38: {  	s10 =	sld [smem:$0x3FB8]  }
0x39: {  	_ = 	snop;
	(pc) =	sbr.ind lr, $3  }
0x3a: {  	_ = 	snop  }
0x3b: {  	_ = 	snop  }
0x3c: {  	p2 =	seq.s32 s10, $0x1;
	s10 =	sld [smem:$0x3FB7]  }
0x3d: {  	_ =	shalt  }
0x3e: {  	_ =	shalt  }
0x3f: {  	_ =	shalt  }
0x40: {  	_ =	shalt  }
0x41: {  	_ =	shalt  }
0x42: {  	_ =	shalt  }
0x43: {  	_ =	shalt  }
0x44: {  	_ =	shalt  }
0x45: {  	_ =	shalt  }
0x46: {  	_ =	shalt  }
0x47: {  	_ =	shalt  }
0x48: {  	_ =	shalt  }
0x49: {  	_ =	shalt  }
0x4a: {  	_ =	shalt  }
0x4b: {  	_ =	shalt  }
0x4c: {  	_ =	shalt  }
0x4d: {  	_ =	shalt  }
0x4e: {  	_ =	shalt  }
0x4f: {  	_ =	shalt  }
0x50: {  	_ =	shalt  }
0x51: {  	_ =	shalt  }
0x52: {  	_ =	shalt  }
0x53: {  	_ =	shalt  }
0x54: {  	_ =	shalt  }
0x55: {  	_ =	shalt  }
0x56: {  	_ =	shalt  }
0x57: {  	_ =	shalt  }
0x58: {  	_ =	shalt  }
0x59: {  	_ =	shalt  }
0x5a: {  	_ =	shalt  }
0x5b: {  	_ =	shalt  }
0x5c: {  	_ =	shalt  }
0x5d: {  	_ =	shalt  }
0x5e: {  	_ =	shalt  }
0x5f: {  	_ =	shalt  }
0x60: {  	_ =	shalt  }
0x61: {  	_ =	shalt  }
0x62: {  	_ =	shalt  }
0x63: {  	_ =	shalt  }
0x64: {  	_ =	shalt  }
0x65: {  	_ =	shalt  }
0x66: {  	_ =	shalt  }
0x67: {  	_ =	shalt  }
0x68: {  	_ =	shalt  }
0x69: {  	_ =	shalt  }
0x6a: {  	_ =	shalt  }
0x6b: {  	_ =	shalt  }
0x6c: {  	_ =	shalt  }
0x6d: {  	_ =	shalt  }
0x6e: {  	_ =	shalt  }
0x6f: {  	_ =	shalt  }
0x70: {  	_ =	shalt  }
0x71: {  	_ =	shalt  }
0x72: {  	_ =	shalt  }
0x73: {  	_ =	shalt  }
0x74: {  	_ =	shalt  }
0x75: {  	_ =	shalt  }
0x76: {  	_ =	shalt  }
0x77: {  	_ =	shalt  }
0x78: {  	_ =	shalt  }
0x79: {  	_ =	shalt  }
0x7a: {  	_ =	shalt  }
0x7b: {  	_ =	shalt  }
0x7c: {  	_ =	shalt  }
0x7d: {  	_ =	shalt  }
0x7e: {  	_ =	shalt  }
0x7f: {  	_ =	shalt  }
0x80: {  	_ =	shalt  }
0x81: {  	_ =	shalt  }
0x82: {  	_ =	shalt  }
0x83: {  	_ =	shalt  }
0x84: {  	_ =	shalt  }
0x85: {  	_ =	shalt  }
0x86: {  	_ =	shalt  }
0x87: {  	_ =	shalt  }
.Lfunc_end0:
.L_simem_size_0:
called_computation.2_lowered:
.L_overlay_start_0:
0x88: {  	s2 =	sld [smem:$0x3FD9]  }
0x89: {  	s3 =	sld [smem:$0x3FFE];
	_ =	sdelay $0x1  }
0x8a: {  	s1 =	srdreg.scid  }
0x8b: {  	s0 =	sand.u32 $0x1, s1  }
0x8c: {  	s17 =	sshll.u32 s0, $0xA;
	s2 =	sadd.s32 s3, s2  }
0x8d: {  	s2 =	sadd.s32 s2, s17  }
0x8e: {  	[smem:$0x3FC3] =	sst s2  }
0x8f: {  	_ = 	snop  }
0x90: {  	s2 =	sld [smem:$0x3FD0];
	(tm) =	ssettm $0x1  }
0x91: {  	s18 =	sld [smem:$0x3FFB];
	_ =	sdelay $0x3  }
0x92: {  	_ =	strace s18  }
0x93: {  	s3 =	sld [smem:$0x3FFC];
	_ =	sdelay $0x3  }
0x94: {  	_ =	strace s3  }
0x95: {  	s3 =	sld [smem:$0x3FFD];
	_ =	sdelay $0x3  }
0x96: {  	_ =	strace s3  }
0x97: {  	_ =	strace $0x8FFFFFFF  }
0x98: {  	s19 =	sld [smem:$0x3FDB];
	_ =	sdelay $0x1  }
0x99: {  	s4 =	simm.s32 $_scs_section_size  }
0x9a: {  	s5 =	simm.s32 $_size__tile_overlayer_lowered;
	s6 =	simm.s32 $_tile_overlayer_lowered  }
0x9b: {  	s22 =	simm.s32 $0x1BFF;
	s21 =	sshll.u32 s6, $0x1;
	s3 =	sadd.s32 s4, s19  }
0x9c: {  	s7 =	simm.s32 $0x0;
	s20 =	sshll.u32 s5, $0x1;
	s5 =	sadd.s32 s21, s3  }
0x9d: {  	[timem:s7], [sflag:s22] =	dma.local [hbm:s5], s20  }
0x9e: {  	_ =	swait.ge [sflag:s22], s20  }
0x9f: {  	s4 =	ssub.s32 $0x0, s20;
	[sflag:s22] =	ssyncset.done $0x0  }
0xa0: {  	[sflag:s22] =	ssyncadd.s32 s4;
	_ =	sdelay $0x1  }
0xa1: {  	s23 =	simm.s32 $0x1B8B  }
0xa2: {  	_ =	swait.ge [sflag:s23], $0x1  }
0xa3: {  	[sflag:s23] =	ssyncset.done $0x0  }
0xa4: {  	s25 =	simm.s32 $0x1B8E;
	s24 =	sld [smem:$0x3FFE];
	[sflag:s23] =	ssyncadd.s32 $0xFFFFFFFF  }
0xa5: {  	s26 =	simm.s32 $execute0_lowered;
	[smem:$0x3FD2] =	sst s25  }
0xa6: {  	s5 =	sshll.u32 s26, $0x1;
	_ =	strace $0x8000004C;
	[dreg:$0x1] =	wrdreg $0xFFFFFFFF  }
0xa7: {  	s28 =	simm.s32 $_size_execute0_lowered;
	s3 =	sadd.s32 s3, s5;
	[dreg:$0x0] =	wrdreg $0x0  }
0xa8: {  	s5 =	sshll.u32 s28, $0x1;
	[dreg:$0x2] =	wrdreg s3  }
0xa9: {  	[dreg:$0x3] =	wrdreg s5  }
0xaa: {  	[dreg:$0x4] =	wrdreg $0xC0  }
0xab: {  	_ =	task [dreg:s7], $0x5FFFF  }
0xac: {  	[dreg:$0x1] =	wrdreg $0xFFFFFFFF  }
0xad: {  	[dreg:$0x0] =	wrdreg $0x60  }
0xae: {  	[dreg:$0x2] =	wrdreg s2  }
0xaf: {  	[dreg:$0x3] =	wrdreg s24  }
0xb0: {  	[dreg:$0x4] =	wrdreg $0x9  }
0xb1: {  	_ =	task.clear_ibuf [dreg:s7], $0x5FFFF;
	_ =	strace $0x9000004C  }
0xb2: {  	s29 =	simm.s32 $0x9;
	_ =	strace $0x8000004E  }
0xb3: {  	_ =	swait.ge [sflag:s29], $0x1  }
0xb4: {  	[sflag:s29] =	ssyncadd.s32 $0xFFFFFFFF  }
0xb5: {  	_ =	strace $0x9000004E  }
0xb6: {  	_ =	sfence  }
0xb7: {  	s30 =	sld [smem:$0x0];
	_ =	sdelay $0x2  }
0xb8: {  	s31 =	sshll.u32 s1, $0xD;
	s1 =	sshrl.u32 s1, $0x2  }
0xb9: {  	s3 =	sand.u32 $0x4000, s31;
	s1 =	sadd.s32 s1, s30  }
0xba: {  	s0 =	sor.u32 s3, s0;
	s1 =	sshll.u32 s1, $0x11  }
0xbb: {  	s0 =	sor.u32 s1, s0  }
0xbc: {  	s0 =	sadd.s32 $0x8F2B, s0  }
0xbd: {  	[sflag:s0] =	ssyncadd.remote.s32 $0x1  }
0xbe: {  	_ =	sfence.sel $0xFFFF  }
0xbf: {  	[dreg:$0x0] =	wrdreg $0xFFFFFFFF;
	(pc) =	sbr.abs _section_cstart, $3  }
0xc0: {  	[dreg:$0x1] =	wrdreg $0xFFFFFFFF  }
0xc1: {  	_ =	task.clear_ibuf [dreg:s7], $0x2FFFF;
	_ =	strace $0x9FFFFFFF  }
0xc2: {  	(tm) =	ssettm $0x7FFFFFFF  }
0xc3: {  	_ =	shalt  }
tec
execute0_lowered:
.L_overlay_start_1:
0x0: {  	(tag) =	ssettag $0x1  }
0x1: {  	s1 =	srdreg.scid;
	s2 =	rddreg [dreg:$0x0]  }
0x2: {  	s0 =	stileid.u32;
	s3 =	rddreg [dreg:$0x1]  }
0x3: {  	s6 =	simm.s32 $0x1;
	s9 =	simm.s32 $0x1;
	s1 =	sshll.u32 s1, $0x7  }
0x4: {  	s10 =	simm.s32 $0x3;
	s4 =	sshll.u32 s0, $0x8;
	s5 =	sand.u32 $0x80, s1  }
0x5: {  	s13 =	simm.s32 $0x0;
	s12 =	simm.s32 $0x0;
	s4 =	sor.u32 s4, s5  }
0x6: {  	s1 =	rddreg [dreg:$0x2];
	_ =	strace $0x8000004D;
	s8 =	ssub.s32 $0x1200, s4  }
.Ltmp0:
0x7: {  	s5 =	sadd.s32 $0x600, s3;
	s7 =	sand.u32 $0xF80, s8;
	(pc) =	sbr.rel .LBB2_1-.Ltmp0, $4  }
0x8: {  	[sflag:s6] =	ssyncpa.u1 $0x0;
	s11 =	smov.u32 s4;
	p0 =	sne.s32 s7, $0x0  }
0x9: {  	s8 =	sshrl.u32 s8, $0xC;
	s7 =	simm.s32 $0x2;
	s9 =	simm.s32 @!p0 $0x0  }
0xa: {  	[sflag:s7] =	ssyncpa.u1 $0x0;
	p0 =	por $0x0, $0x0;
	s8 =	sadd.s32 s9, s8  }
0xb: {  	vm0 =	vmmov $0xffff;
	[sflag:s10] =	ssyncpa.u1 $0x0;
	s10 =	simm.s32 $0x0;
	s9 =	sadd.s32 $0x1, s8  }
.LBB2_4:
0xc: {  	vm1 =	veq.s32 v4, $0x80000000;
	v56 =	vand.u32 $0x7, v4;
	v6 =	vand.u32 $0x3FF, v6  }
0xd: {  	v2 =	vor.u32 v2, v5;
	v59 =	vshrl.u32 v1, $0x3;
	v60 =	vand.u32 $0x7, v1  }
0xe: {  	v4 =	vsel vm1, $0xFFFFFFFF, v56;
	v6 =	vsel vm1, $0xFFFFFFFF, v6;
	v2 =	vor.u32 v3, v2  }
0xf: {  	vm1 =	veq.s32 v1, $0x80000000;
	v5 =	vand.u32 $0x3FF, v59;
	v7 =	vshrl.u32 v4, $0x3  }
0x10: {  	v57 =	vshll.u32 v6, $0x3;
	v4 =	vshll.u32 v4, $0x7;
	v1 =	vsel vm1, $0xFFFFFFFF, v60  }
0x11: {  	v5 =	vsel vm1, $0xFFFFFFFF, v5;
	v6 =	vand.u32 $0x7F, v6;
	v7 =	vmul.u32 $0x1400, v7  }
0x12: {  	v58 =	vand.u32 $0xFFFFFC00, v57;
	v4 =	vand.u32 $0x380, v4;
	v61 =	vshrl.u32 v1, $0x3  }
0x13: {  	v62 =	vshll.u32 v5, $0x3;
	v3 =	vadd.s32 v7, v58;
	v7 =	vmul.u32 $0x1400, v61  }
0x14: {  	v1 =	vshll.u32 v1, $0x7;
	v3 =	vor.u32 v4, v3;
	v4 =	vand.u32 $0xFFFFFC00, v62  }
0x15: {  	v1 =	vand.u32 $0x380, v1;
	v3 =	vor.u32 v6, v3;
	v4 =	vadd.s32 v7, v4  }
0x16: {  	[tilespmem:s16], [sflag:$0x1] =	stream.indirect_vreg.gather [hbm4b:s2+s10], $0x1, v0, vm0, $0x4038;
	v63 =	vand.u32 $0x7F, v5;
	v1 =	vor.u32 v1, v4;
	[tilespmem:$0x200] =	vst v63  }
0x17: {  	s15 =	sadd.s32 $0x10, s15;
	(ifvalue) =	ssetifvalue $0x7FFFFFFF;
	v0 =	vor.u32 v63, v1  }
0x18: {  	[tilespmem:s15], [sflag:$0x1] =	stream.indirect_vreg.gather [hbm4b:s2+s10], $0x1, v2, vm0, $0x4038;
	[tilespmem:$0x200] =	vst v63  }
0x19: {  	s15 =	sadd.s32 $0x10, s15;
	(ifvalue) =	ssetifvalue $0x7FFFFFFF  }
0x1a: {  	[tilespmem:s15], [sflag:$0x1] =	stream.indirect_vreg.gather [hbm4b:s2+s10], $0x1, v3, vm0, $0x4038;
	[tilespmem:$0x200] =	vst v63  }
0x1b: {  	s15 =	sadd.s32 $0x10, s15;
	(ifvalue) =	ssetifvalue $0x7FFFFFFF  }
0x1c: {  	[tilespmem:s15], [sflag:$0x1] =	stream.indirect_vreg.gather [hbm4b:s2+s10], $0x1, v0, vm0, $0x4038;
	[tilespmem:$0x200] =	vst v63  }
0x1d: {  	_ =	swait.ge [sflag:s6], $0x80  }
0x1e: {  	s30 =	sshrl.u32 s13, $0x3;
	[sflag:s6] =	ssyncset.done $0x0  }
0x1f: {  	s31 =	sand.u32 $0x7, s13;
	s15 =	sadd.s32 s3, s30;
	[sflag:s6] =	ssyncadd.s32 $0xFFFFFF80  }
0x20: {  	[hbm4b:s15+s31] =	stream.linear.scatter [tilespmem:s14], [sflag:$0x3], $0x80, $0x38;
	[tilespmem:$0x200] =	vst v63  }
.LBB2_5:
0x21: {  	s15 =	sadd.s32 $0x1000, s11  }
0x22: {  	p2 =	sgt.s32 s15, $0x11FF  }
0x23: {  	s15 =	smov.u32 @p2 s4;
	p2 =	sne.s32 s12, s9  }
.Ltmp1:
0x24: {  	p1 =	slt.u32 s12, $0x2;
	(pc) =	sbr.rel @!p2 .LBB2_6-.Ltmp1, $4  }
0x25: {  	s14 =	simm.s32 @!p1 $0x3  }
0x26: {  	s16 =	sadd.s32 $0x1, s12;
	_ =	swait.ge @!p1 [sflag:s14], $0x80  }
0x27: {  	s13 =	smov.u32 s11;
	p0 =	por !p0, !p0;
	[sflag:s14] =	ssyncset.done @!p1 $0x0  }
0x28: {  	s12 =	smov.u32 s16;
	s11 =	smov.u32 s15;
	[sflag:s14] =	ssyncadd.s32 @!p1 $0xFFFFFF80  }
.LBB2_1:
0x29: {  	p1 =	sge.u32 s12, s8  }
0x2a: {  	s14 =	sxor.u32 @!p1 $0xFFFFFFFF, s12  }
0x2b: {  	s31 =	sadd.s32 $0xFFFFFFFF, s12;
	s15 =	sshrl.u32 @!p1 s11, $0x3;
	s14 =	sshll.u32 @!p1 s14, $0x7  }
0x2c: {  	s16 =	sand.u32 @!p1 $0x7, s11;
	s15 =	sadd.s32 @!p1 s5, s15;
	s14 =	sand.u32 @!p1 $0x80, s14  }
0x2d: {  	[tilespmem:s14], [sflag:$0x2] =	stream.linear.gather @!p1 [hbm4b:s15+s16], $0x80, $0x38;
	[tilespmem:$0x200] =	vst v63  }
0x2e: {  	p1 =	sge.u32 s31, s8  }
.Ltmp2:
0x2f: {  	_ = 	snop;
	(pc) =	sbr.rel @p1 .LBB2_5-.Ltmp2, $1  }
0x30: {  	_ =	sdelay $0x3  }
0x31: {  	s14 =	simm.s32 $0x1  }
0x32: {  	_ =	swait.ge [sflag:s7], $0x80;
	s14 =	simm.s32 @!p0 $0x0  }
0x33: {  	[sflag:s7] =	ssyncset.done $0x0;
	s14 =	sshll.u32 s14, $0x7  }
0x34: {  	[sflag:s7] =	ssyncadd.s32 $0xFFFFFF80;
	(ifvalue) =	ssetifvalue $0x7FFFFFFF;
	v0 =	vld.msk [tilespmem:s14+$0x0 ss:$0x1], $0xffff  }
0x35: {  	s15 =	sadd.s32 $0x10, s14  }
0x36: {  	v1 =	vld.msk [tilespmem:s15+$0x0 ss:$0x1], $0xffff;
	_ =	sdelay $0x2  }
0x37: {  	v2 =	vshrl.u32 v0, $0x3  }
0x38: {  	vm1 =	veq.s32 v0, $0x80000000;
	v0 =	vand.u32 $0x7, v0;
	v2 =	vand.u32 $0x3FF, v2  }
0x39: {  	v0 =	vsel vm1, $0xFFFFFFFF, v0;
	v6 =	vshrl.u32 v1, $0x3;
	v2 =	vsel vm1, $0xFFFFFFFF, v2  }
0x3a: {  	v3 =	vshrl.u32 v0, $0x3;
	v0 =	vshll.u32 v0, $0x7;
	vm1 =	veq.s32 v1, $0x80000000  }
0x3b: {  	s15 =	sadd.s32 $0x10, s15;
	v1 =	vand.u32 $0x7, v1;
	v4 =	vshll.u32 v2, $0x3;
	v3 =	vmul.u32 $0x1400, v3  }
0x3c: {  	v0 =	vand.u32 $0x380, v0;
	v7 =	vand.u32 $0x7F, v2;
	v5 =	vand.u32 $0xFFFFFC00, v4;
	v4 =	vld.msk [tilespmem:s15+$0x0 ss:$0x1], $0xffff  }
0x3d: {  	v1 =	vsel vm1, $0xFFFFFFFF, v1;
	v2 =	vadd.s32 v3, v5;
	v3 =	vand.u32 $0x3FF, v6  }
0x3e: {  	v3 =	vsel vm1, $0xFFFFFFFF, v3;
	v0 =	vor.u32 v0, v2;
	v2 =	vshrl.u32 v1, $0x3  }
0x3f: {  	s16 =	sshll.u32 s12, $0x7;
	s18 =	simm.s32 $0x30;
	v1 =	vshll.u32 v1, $0x7;
	v5 =	vshll.u32 v3, $0x3;
	v8 =	vmul.u32 $0x1400, v2  }
0x40: {  	s31 =	sand.u32 $0x80, s16;
	s17 =	sadd.s32 $0x10, s15;
	s15 =	sor.u32 $0x100, s14;
	v2 =	vand.u32 $0x380, v1;
	v0 =	vor.u32 v7, v0;
	v5 =	vand.u32 $0xFFFFFC00, v5  }
0x41: {  	s14 =	sor.u32 $0x100, s31;
	s16 =	smov.u32 s15;
	v1 =	vld.msk [tilespmem:s17+$0x0 ss:$0x1], $0xffff;
	v3 =	vand.u32 $0x7F, v3;
	(ifvalue) =	ssetifvalue $0x7FFFFFFF;
	v6 =	vshrl.u32 v4, $0x3;
	v5 =	vadd.s32 v8, v5  }
.LBB2_3:
0x42: {  	s18 =	sadd.s32 $0x10, s18  }
0x43: {  	vm1 =	veq.s32 v4, $0x80000000;
	v4 =	vand.u32 $0x7, v4;
	v6 =	vand.u32 $0x3FF, v6;
	s15 =	sadd.s32 $0x10, s15;
	p1 =	slt.u32 s18, $0x70  }
.Ltmp3:
0x44: {  	v5 =	vor.u32 v2, v5;
	v4 =	vsel vm1, $0xFFFFFFFF, v4;
	v7 =	vsel vm1, $0xFFFFFFFF, v6;
	(pc) =	sbr.rel @p1 .LBB2_3-.Ltmp3, $4  }
0x45: {  	v2 =	vshrl.u32 v4, $0x3;
	v6 =	vshll.u32 v7, $0x3;
	v4 =	vshll.u32 v4, $0x7;
	[tilespmem:s16], [sflag:$0x1] =	stream.indirect_vreg.gather [hbm4b:s2+s10], $0x1, v0, vm0, $0x4038;
	[tilespmem:$0x200] =	vst v63  }
0x46: {  	v0 =	vor.u32 v3, v5;
	s16 =	smov.u32 s15;
	v8 =	vmul.u32 $0x1400, v2;
	v2 =	vand.u32 $0x380, v4  }
0x47: {  	s17 =	sadd.s32 $0x10, s17;
	v9 =	vand.u32 $0xFFFFFC00, v6  }
0x48: {  	v3 =	vand.u32 $0x7F, v7;
	v6 =	vshrl.u32 v1, $0x3;
	v5 =	vadd.s32 v8, v9;
	(ifvalue) =	ssetifvalue $0x7FFFFFFF;
	v4 =	vmovc v1;
	v1 =	vld.msk [tilespmem:s17+$0x0 ss:$0x1], $0xffff  }
.Ltmp4:
0x49: {  	_ = 	snop;
	(pc) =	sbr.rel .LBB2_4-.Ltmp4, $1  }
0x4a: {  	_ =	sdelay $0x3  }
.LBB2_6:
0x4b: {  	_ =	sfence.sel $0x180000  }
0x4c: {  	s2 =	simm.s32 $0x2;
	[bflag:$0x0] =	sbarrier.arrive $0xFFFF  }
0x4d: {  	s30 =	simm.s32 $0x3;
	[sflag:s2] =	ssyncpa.u1 $0x1  }
0x4e: {  	s31 =	simm.s32 $0x1;
	[sflag:s30] =	ssyncpa.u1 $0x1  }
0x4f: {  	[sflag:s31] =	ssyncpa.u1 $0x1  }
0x50: {  	p0 =	sne.s32 s0, $0x0;
	_ =	strace $0x9000004D  }
0x51: {  	s0 =	sadd.s32 @!p0 $0x100000, s1;
	[bflag:$0x2] =	sbarrier.arrive $0xFFFF  }
0x52: {  	[sflag:s0] =	ssyncadd.tile.s32 @!p0 $0x1;
	_ =	shalt  }
.Lfunc_end2:
_tile_overlayer_lowered:
.L_overlay_start_2:
0x53: {  	(tag) =	ssettag $0x2  }
0x54: {  	s0 =	rddreg [dreg:$0x0];
	s2 =	stileid.u32  }
0x55: {  	s1 =	rddreg [dreg:$0x1];
	p0 =	sne.s32 s2, $0x0  }
0x56: {  	s3 =	rddreg [dreg:$0x2];
	[bflag:$0x3] =	sbarrier.arrive $0xFFFF;
	s2 =	simm.s32 @!p0 $0x1C01  }
0x57: {  	[timem:s3], [sflag:s2] =	dma.local @!p0 [hbm:s0], s1  }
0x58: {  	s0 =	simm.s32 @!p0 $0x1  }
0x59: {  	_ =	swait.ge @!p0 [sflag:s0], s1  }
0x5a: {  	s1 =	ssub.s32 @!p0 $0x0, s1;
	[sflag:s0] =	ssyncset.done @!p0 $0x0  }
0x5b: {  	[sflag:s0] =	ssyncadd.s32 @!p0 s1  }
0x5c: {  	[bflag:$0x3] =	sbarrier.arrive $0xFFFF  }
0x5d: {  	_ =	shalt  }

// kernel: scatter_offload_async_start.1
scs
__scs_entry_jumppad:
0x0: {  	(pc) =	sbr.rel $0x88, $3  }
0x1: {  	(tag) =	ssettag $0x0;
	lr =	simm.s32 $0x1  }
0x2: {  	[smem:$0x3F9C] =	sst lr;
	_ =	strace $0xD0000000  }
0x3: {  	_ = 	snop  }
0x4: {  	_ = 	snop  }
0x5: {  	_ = 	snop  }
0x6: {  	_ = 	snop  }
0x7: {  	_ = 	snop  }
__scs_overlays_trampoline_lowered:
0x8: {  	[smem:$0x3FAB] =	sst s0  }
0x9: {  	[smem:$0x3FAC] =	sst s1  }
0xa: {  	[smem:$0x3FAD] =	sst s2  }
0xb: {  	[smem:$0x3FAE] =	sst s3  }
0xc: {  	[smem:$0x3FAF] =	sst s4  }
0xd: {  	[smem:$0x3FB0] =	sst s5  }
0xe: {  	[smem:$0x3FB1] =	sst s6  }
0xf: {  	[smem:$0x3FB2] =	sst s7  }
0x10: {  	[smem:$0x3FB3] =	sst s8  }
0x11: {  	[smem:$0x3FB4] =	sst s9;
	s0 =	simm.s32 @!p0 $0x0  }
0x12: {  	s1 =	sld [smem:$0x3F9A];
	s0 =	simm.s32 @p0 $0x1  }
0x13: {  	[smem:$0x3FB5] =	sst s0;
	s0 =	simm.s32 @!p1 $0x0  }
0x14: {  	s2 =	sld [smem:$0x3F99];
	s0 =	simm.s32 @p1 $0x1  }
0x15: {  	[smem:$0x3FB6] =	sst s0;
	s0 =	simm.s32 @!p2 $0x0  }
0x16: {  	s3 =	sld [smem:$0x3FDB];
	s0 =	simm.s32 @p2 $0x1  }
0x17: {  	s4 =	simm.s32 $0x1BF5;
	[smem:$0x3FB8] =	sst s0  }
0x18: {  	s0 =	sld [smem:$0x3F9B];
	_ =	swait.ge [sflag:s4], $0x0  }
0x19: {  	s7 =	sld [smem:$0x3F9C]  }
0x1a: {  	s8 =	sadd.s32 $0xFFFFE003, lr  }
0x1b: {  	s9 =	sadd.s32 $0xFFFFFEF7, lr;
	s5 =	simm.s32 $0xFFFFFFFF;
	p2 =	slt.u32 s8, $0xFFFFF086  }
0x1c: {  	p1 =	slt.u32 s9, $0xF7A;
	s5 =	simm.s32 @!p2 $0x0  }
0x1d: {  	s5 =	simm.s32 @p1 $0x1;
	p0 =	seq.s32 s7, s2  }
0x1e: {  	s7 =	smul.u32 @!p0 $0xF7A, s2;
	p2 =	seq.s32 @!p0 s5, $0x0  }
0x1f: {  	s9 =	smul.u32 $0xF7A, s1;
	s8 =	simm.s32 @!p0 $0x1BF5;
	p2 =	por !p2, p0  }
0x20: {  	[sflag:s8] =	ssyncset.s32 @!p0 $0xFFFFF086;
	s6 =	sadd.s32 @!p0 s3, s7;
	s7 =	simm.s32 @!p0 $0x108  }
0x21: {  	s3 =	sadd.s32 s3, s9;
	s6 =	sadd.s32 @!p0 $0x88, s6;
	s7 =	simm.s32 @p2 $0x1082  }
0x22: {  	[simem:s7], [sflag:s8] =	dma.local @!p0 [hbm:s6], $0xF7A  }
0x23: {  	s9 =	sor.u32 $0xD0000000, s2;
	s6 =	simm.s32 $0x108;
	_ =	swait.ge @!p0 [sflag:s8], $0x0  }
0x24: {  	s3 =	sadd.s32 $0x88, s3;
	s6 =	simm.s32 @!p1 $0x1082;
	[sflag:s4] =	ssyncset.s32 $0xFFFFF086  }
0x25: {  	[simem:s6], [sflag:s4] =	dma.local [hbm:s3], $0xF7A  }
0x26: {  	[smem:$0x3F9C] =	sst s1;
	(tag) =	ssettag s2;
	_ =	strace s9  }
0x27: {  	s1 =	sld [smem:$0x3FAC]  }
0x28: {  	s2 =	sld [smem:$0x3FAD]  }
0x29: {  	s4 =	sld [smem:$0x3FAF]  }
0x2a: {  	p0 =	seq.s32 s5, $0x0;
	s5 =	sld [smem:$0x3FB0]  }
0x2b: {  	s6 =	sld [smem:$0x3FB1]  }
0x2c: {  	s7 =	sld [smem:$0x3FB2]  }
0x2d: {  	s3 =	simm.s32 $0x108;
	s8 =	sld [smem:$0x3FB3]  }
0x2e: {  	s3 =	simm.s32 @!p0 $0x1082;
	s9 =	sld [smem:$0x3FB4]  }
0x2f: {  	lr =	sadd.s32 s0, s3;
	s0 =	sld [smem:$0x3FAB]  }
0x30: {  	s3 =	sld [smem:$0x3FAE]  }
0x31: {  	[smem:$0x3FB7] =	sst s10  }
0x32: {  	s10 =	sld [smem:$0x3FB5];
	_ =	sdelay $0x3  }
0x33: {  	p0 =	seq.s32 s10, $0x1;
	s10 =	sld [smem:$0x3FB7];
	_ =	sdelay $0x3  }
0x34: {  	[smem:$0x3FB7] =	sst s10  }
0x35: {  	s10 =	sld [smem:$0x3FB6];
	_ =	sdelay $0x3  }
0x36: {  	p1 =	seq.s32 s10, $0x1;
	s10 =	sld [smem:$0x3FB7];
	_ =	sdelay $0x3  }
0x37: {  	[smem:$0x3FB7] =	sst s10  }
0x38: {  	s10 =	sld [smem:$0x3FB8]  }
0x39: {  	_ = 	snop;
	(pc) =	sbr.ind lr, $3  }
0x3a: {  	_ = 	snop  }
0x3b: {  	_ = 	snop  }
0x3c: {  	p2 =	seq.s32 s10, $0x1;
	s10 =	sld [smem:$0x3FB7]  }
0x3d: {  	_ =	shalt  }
0x3e: {  	_ =	shalt  }
0x3f: {  	_ =	shalt  }
0x40: {  	_ =	shalt  }
0x41: {  	_ =	shalt  }
0x42: {  	_ =	shalt  }
0x43: {  	_ =	shalt  }
0x44: {  	_ =	shalt  }
0x45: {  	_ =	shalt  }
0x46: {  	_ =	shalt  }
0x47: {  	_ =	shalt  }
0x48: {  	_ =	shalt  }
0x49: {  	_ =	shalt  }
0x4a: {  	_ =	shalt  }
0x4b: {  	_ =	shalt  }
0x4c: {  	_ =	shalt  }
0x4d: {  	_ =	shalt  }
0x4e: {  	_ =	shalt  }
0x4f: {  	_ =	shalt  }
0x50: {  	_ =	shalt  }
0x51: {  	_ =	shalt  }
0x52: {  	_ =	shalt  }
0x53: {  	_ =	shalt  }
0x54: {  	_ =	shalt  }
0x55: {  	_ =	shalt  }
0x56: {  	_ =	shalt  }
0x57: {  	_ =	shalt  }
0x58: {  	_ =	shalt  }
0x59: {  	_ =	shalt  }
0x5a: {  	_ =	shalt  }
0x5b: {  	_ =	shalt  }
0x5c: {  	_ =	shalt  }
0x5d: {  	_ =	shalt  }
0x5e: {  	_ =	shalt  }
0x5f: {  	_ =	shalt  }
0x60: {  	_ =	shalt  }
0x61: {  	_ =	shalt  }
0x62: {  	_ =	shalt  }
0x63: {  	_ =	shalt  }
0x64: {  	_ =	shalt  }
0x65: {  	_ =	shalt  }
0x66: {  	_ =	shalt  }
0x67: {  	_ =	shalt  }
0x68: {  	_ =	shalt  }
0x69: {  	_ =	shalt  }
0x6a: {  	_ =	shalt  }
0x6b: {  	_ =	shalt  }
0x6c: {  	_ =	shalt  }
0x6d: {  	_ =	shalt  }
0x6e: {  	_ =	shalt  }
0x6f: {  	_ =	shalt  }
0x70: {  	_ =	shalt  }
0x71: {  	_ =	shalt  }
0x72: {  	_ =	shalt  }
0x73: {  	_ =	shalt  }
0x74: {  	_ =	shalt  }
0x75: {  	_ =	shalt  }
0x76: {  	_ =	shalt  }
0x77: {  	_ =	shalt  }
0x78: {  	_ =	shalt  }
0x79: {  	_ =	shalt  }
0x7a: {  	_ =	shalt  }
0x7b: {  	_ =	shalt  }
0x7c: {  	_ =	shalt  }
0x7d: {  	_ =	shalt  }
0x7e: {  	_ =	shalt  }
0x7f: {  	_ =	shalt  }
0x80: {  	_ =	shalt  }
0x81: {  	_ =	shalt  }
0x82: {  	_ =	shalt  }
0x83: {  	_ =	shalt  }
0x84: {  	_ =	shalt  }
0x85: {  	_ =	shalt  }
0x86: {  	_ =	shalt  }
0x87: {  	_ =	shalt  }
.Lfunc_end0:
.L_simem_size_0:
called_computation.1_lowered:
.L_overlay_start_0:
0x88: {  	s0 =	sld [smem:$0x3FD9]  }
0x89: {  	s1 =	sld [smem:$0x3FFE];
	_ =	sdelay $0x3  }
0x8a: {  	s0 =	sadd.s32 s1, s0  }
0x8b: {  	[smem:$0x3FC3] =	sst s0  }
0x8c: {  	_ = 	snop  }
0x8d: {  	(tm) =	ssettm $0x1  }
0x8e: {  	s15 =	sld [smem:$0x3FFB];
	_ =	sdelay $0x3  }
0x8f: {  	_ =	strace s15  }
0x90: {  	s0 =	sld [smem:$0x3FFC];
	_ =	sdelay $0x3  }
0x91: {  	_ =	strace s0  }
0x92: {  	s0 =	sld [smem:$0x3FFD];
	_ =	sdelay $0x3  }
0x93: {  	_ =	strace s0  }
0x94: {  	_ =	strace $0x8FFFFFFF  }
0x95: {  	s16 =	sld [smem:$0x3FDB];
	_ =	sdelay $0x1  }
0x96: {  	s17 =	simm.s32 $_scs_section_size  }
0x97: {  	s2 =	simm.s32 $_size__tile_overlayer_lowered;
	s3 =	simm.s32 $_tile_overlayer_lowered  }
0x98: {  	s20 =	simm.s32 $0x1BFF;
	s19 =	sshll.u32 s3, $0x1;
	s0 =	sadd.s32 s17, s16  }
0x99: {  	s4 =	simm.s32 $0x0;
	s18 =	sshll.u32 s2, $0x1;
	s2 =	sadd.s32 s19, s0  }
0x9a: {  	[timem:s4], [sflag:s20] =	dma.local [hbm:s2], s18  }
0x9b: {  	_ =	swait.ge [sflag:s20], s18  }
0x9c: {  	s1 =	ssub.s32 $0x0, s18;
	[sflag:s20] =	ssyncset.done $0x0  }
0x9d: {  	[sflag:s20] =	ssyncadd.s32 s1;
	_ =	sdelay $0x1  }
0x9e: {  	s21 =	simm.s32 $0x1B8B  }
0x9f: {  	_ =	swait.ge [sflag:s21], $0x1  }
0xa0: {  	[sflag:s21] =	ssyncset.done $0x0  }
0xa1: {  	s23 =	simm.s32 $0x1B8E;
	s22 =	sld [smem:$0x3FFE];
	[sflag:s21] =	ssyncadd.s32 $0xFFFFFFFF  }
0xa2: {  	s24 =	simm.s32 $execute0_lowered;
	[smem:$0x3FD2] =	sst s23  }
0xa3: {  	s2 =	sshll.u32 s24, $0x1;
	_ =	strace $0x80000046;
	[dreg:$0x1] =	wrdreg $0xFFFFFFFF  }
0xa4: {  	s25 =	simm.s32 $_size_execute0_lowered;
	s0 =	sadd.s32 s0, s2;
	[dreg:$0x0] =	wrdreg $0x0  }
0xa5: {  	s2 =	sshll.u32 s25, $0x1;
	[dreg:$0x2] =	wrdreg s0  }
0xa6: {  	[dreg:$0x3] =	wrdreg s2  }
0xa7: {  	[dreg:$0x4] =	wrdreg $0xC0  }
0xa8: {  	_ =	task [dreg:s4], $0x5FFFF  }
0xa9: {  	[dreg:$0x1] =	wrdreg $0xFFFFFFFF  }
0xaa: {  	[dreg:$0x0] =	wrdreg $0x60  }
0xab: {  	[dreg:$0x2] =	wrdreg s22  }
0xac: {  	[dreg:$0x3] =	wrdreg $0x9  }
0xad: {  	_ =	task.clear_ibuf [dreg:s4], $0x4FFFF;
	_ =	strace $0x90000046  }
0xae: {  	s26 =	simm.s32 $0x9;
	_ =	strace $0x80000048  }
0xaf: {  	_ =	swait.ge [sflag:s26], $0x1  }
0xb0: {  	[sflag:s26] =	ssyncadd.s32 $0xFFFFFFFF  }
0xb1: {  	_ =	strace $0x90000048  }
0xb2: {  	_ =	sfence  }
0xb3: {  	s28 =	sld [smem:$0x0];
	_ =	sdelay $0x1  }
0xb4: {  	s29 =	srdreg.scid  }
0xb5: {  	s30 =	sshll.u32 s29, $0xD;
	s31 =	sshrl.u32 s29, $0x2  }
0xb6: {  	s1 =	sand.u32 $0x1, s29;
	s2 =	sand.u32 $0x4000, s30;
	s0 =	sadd.s32 s31, s28  }
0xb7: {  	s1 =	sor.u32 s2, s1;
	s0 =	sshll.u32 s0, $0x11  }
0xb8: {  	s0 =	sor.u32 s0, s1  }
0xb9: {  	s0 =	sadd.s32 $0x8F2B, s0  }
0xba: {  	[sflag:s0] =	ssyncadd.remote.s32 $0x1  }
0xbb: {  	_ =	sfence.sel $0xFFFF  }
0xbc: {  	[dreg:$0x0] =	wrdreg $0xFFFFFFFF;
	(pc) =	sbr.abs _section_cstart, $3  }
0xbd: {  	[dreg:$0x1] =	wrdreg $0xFFFFFFFF  }
0xbe: {  	_ =	task.clear_ibuf [dreg:s4], $0x2FFFF;
	_ =	strace $0x9FFFFFFF  }
0xbf: {  	(tm) =	ssettm $0x7FFFFFFF  }
tec
execute0_lowered:
.L_overlay_start_1:
0x0: {  	(tag) =	ssettag $0x1  }
0x1: {  	s2 =	rddreg [dreg:$0x0]  }
0x2: {  	s0 =	rddreg [dreg:$0x1];
	_ =	strace $0x80000047;
	s3 =	stileid.u32  }
0x3: {  	s4 =	simm.s32 $0x3E;
	s1 =	sadd.s32 $0x800, s2;
	p0 =	sne.s32 s3, $0x0  }
0x4: {  	[sflag:s4] =	ssyncpa.u1 $0x0;
	s5 =	simm.s32 @!p0 $0x1C3E;
	s6 =	simm.s32 @!p0 $0x0  }
0x5: {  	[spmem:s6], [sflag:s5] =	dma.local @!p0 [hbm:s1], $0x80  }
0x6: {  	s5 =	simm.s32 @!p0 $0x3E  }
0x7: {  	_ =	swait.ge @!p0 [sflag:s5], $0x80  }
0x8: {  	[sflag:s5] =	ssyncset.done @!p0 $0x0  }
0x9: {  	[sflag:s5] =	ssyncadd.s32 @!p0 $0xFFFFFF80  }
0xa: {  	s20 =	simm.s32 $0x1;
	s21 =	simm.s32 $0x2;
	[bflag:$0x0] =	sbarrier.arrive $0xFFFF  }
0xb: {  	s8 =	simm.s32 $0x0;
	s9 =	simm.s32 $0x80;
	[sflag:s4] =	ssyncpa.u1 $0x1  }
0xc: {  	s7 =	sadd.s32 $0x600, s2;
	s3 =	sshll.u32 s3, $0x3;
	[sflag:s20] =	ssyncpa.u1 $0x0  }
0xd: {  	s2 =	sadd.s32 s2, s3;
	(ifvalue) =	ssetifvalue $0x400;
	[sflag:s21] =	ssyncpa.u1 $0x0  }
0xe: {  	[tilespmem:s9], [sflag:$0x2] =	stream.linear.gather [hbm4b:s2+s8], $0x40, $0x38;
	[tilespmem:$0x140] =	vst v63  }
0xf: {  	s23 =	simm.s32 $0x100;
	s22 =	sadd.s32 s7, s3  }
0x10: {  	[tilespmem:s23], [sflag:$0x2] =	stream.linear.gather [hbm4b:s22+s8], $0x40, $0x38;
	[tilespmem:$0x140] =	vst v63  }
0x11: {  	_ =	swait.ge [sflag:s21], $0x80  }
0x12: {  	[sflag:s21] =	ssyncset.done $0x0  }
0x13: {  	[sflag:s21] =	ssyncadd.s32 $0xFFFFFF80  }
0x14: {  	v0 =	vld.msk [tilespmem:s9+$0x0 ss:$0x1], $0xffff;
	_ =	sdelay $0x4  }
0x15: {  	v0 =	vmin.u32 v0, $0x400;
	_ =	sdelay $0x3  }
0x16: {  	vm0 =	vmmov $0xffff;
	s24 =	simm.s32 $0x90  }
0x17: {  	[spmem:s8] =	stream.indirect_vreg.scatter.add.s32 [tilespmem:s23], [sflag:$0x1], $0x1, v0, vm0, $0x4038;
	[tilespmem:$0x140] =	vst v63  }
0x18: {  	v0 =	vld.msk [tilespmem:s24+$0x0 ss:$0x1], $0xffff;
	_ =	sdelay $0x4  }
0x19: {  	v0 =	vmin.u32 v0, $0x400;
	_ =	sdelay $0x3  }
0x1a: {  	s25 =	simm.s32 $0x110;
	s26 =	simm.s32 $0xA0  }
0x1b: {  	[spmem:s8] =	stream.indirect_vreg.scatter.add.s32 [tilespmem:s25], [sflag:$0x1], $0x1, v0, vm0, $0x4038;
	[tilespmem:$0x140] =	vst v63  }
0x1c: {  	v0 =	vld.msk [tilespmem:s26+$0x0 ss:$0x1], $0xffff;
	_ =	sdelay $0x4  }
0x1d: {  	v0 =	vmin.u32 v0, $0x400;
	_ =	sdelay $0x3  }
0x1e: {  	s28 =	simm.s32 $0x120;
	s29 =	simm.s32 $0xB0  }
0x1f: {  	[spmem:s8] =	stream.indirect_vreg.scatter.add.s32 [tilespmem:s28], [sflag:$0x1], $0x1, v0, vm0, $0x4038;
	[tilespmem:$0x140] =	vst v63  }
0x20: {  	v0 =	vld.msk [tilespmem:s29+$0x0 ss:$0x1], $0xffff;
	_ =	sdelay $0x4  }
0x21: {  	v0 =	vmin.u32 v0, $0x400;
	_ =	sdelay $0x3  }
0x22: {  	s30 =	simm.s32 $0x130  }
0x23: {  	[spmem:s8] =	stream.indirect_vreg.scatter.add.s32 [tilespmem:s30], [sflag:$0x1], $0x1, v0, vm0, $0x4038;
	[tilespmem:$0x140] =	vst v63  }
0x24: {  	_ =	swait.ge [sflag:s20], $0x40  }
0x25: {  	[sflag:s20] =	ssyncset.done $0x0  }
0x26: {  	[sflag:s20] =	ssyncadd.s32 $0xFFFFFFC0  }
0x27: {  	_ =	sfence.sel $0x180000  }
0x28: {  	[bflag:$0x0] =	sbarrier.arrive $0xFFFF  }
0x29: {  	[sflag:s21] =	ssyncpa.u1 $0x1  }
0x2a: {  	[sflag:s20] =	ssyncpa.u1 $0x1  }
0x2b: {  	_ =	sfence.stream.spmem  }
0x2c: {  	s31 =	simm.s32 $0x3D;
	[bflag:$0x0] =	sbarrier.arrive $0xFFFF  }
0x2d: {  	s2 =	simm.s32 @p0 $0x3D;
	[sflag:s31] =	ssyncpa.u1 $0x0  }
0x2e: {  	[sflag:s2] =	ssyncpa.u1 @p0 $0x1  }
0x2f: {  	[bflag:$0x0] =	sbarrier.arrive @p0 $0xFFFF  }
0x30: {  	_ =	strace @p0 $0x90000047  }
0x31: {  	s2 =	simm.s32 @!p0 $0x1C3D;
	[bflag:$0x2] =	sbarrier.arrive @p0 $0xFFFF  }
0x32: {  	[hbm:s1], [sflag:s2] =	dma.local @!p0 [spmem:s6], $0x80  }
0x33: {  	s1 =	simm.s32 @!p0 $0x3D  }
0x34: {  	_ =	swait.ge @!p0 [sflag:s1], $0x80  }
0x35: {  	[sflag:s1] =	ssyncset.done @!p0 $0x0  }
0x36: {  	[sflag:s1] =	ssyncadd.s32 @!p0 $0xFFFFFF80  }
0x37: {  	[sflag:s1] =	ssyncpa.u1 @!p0 $0x1  }
0x38: {  	[bflag:$0x0] =	sbarrier.arrive @!p0 $0xFFFF  }
0x39: {  	_ =	strace @!p0 $0x90000047  }
0x3a: {  	s0 =	sadd.s32 @!p0 $0x100000, s0;
	[bflag:$0x2] =	sbarrier.arrive @!p0 $0xFFFF  }
0x3b: {  	[sflag:s0] =	ssyncadd.tile.s32 @!p0 $0x1;
	_ =	shalt  }
.Lfunc_end2:
_tile_overlayer_lowered:
.L_overlay_start_2:
0x3c: {  	(tag) =	ssettag $0x2  }
0x3d: {  	s0 =	rddreg [dreg:$0x0];
	s2 =	stileid.u32  }
0x3e: {  	s1 =	rddreg [dreg:$0x1];
	p0 =	sne.s32 s2, $0x0  }
0x3f: {  	s3 =	rddreg [dreg:$0x2];
	[bflag:$0x3] =	sbarrier.arrive $0xFFFF;
	s2 =	simm.s32 @!p0 $0x1C01  }
0x40: {  	[timem:s3], [sflag:s2] =	dma.local @!p0 [hbm:s0], s1  }
0x41: {  	s0 =	simm.s32 @!p0 $0x1  }
0x42: {  	_ =	swait.ge @!p0 [sflag:s0], s1  }
0x43: {  	s1 =	ssub.s32 @!p0 $0x0, s1;
	[sflag:s0] =	ssyncset.done @!p0 $0x0  }
0x44: {  	[sflag:s0] =	ssyncadd.s32 @!p0 s1  }
0x45: {  	[bflag:$0x3] =	sbarrier.arrive $0xFFFF  }
0x46: {  	_ =	shalt  }

// kernel: scatter_offload_async_start
scs
__scs_entry_jumppad:
0x0: {  	(pc) =	sbr.rel $0x88, $3  }
0x1: {  	(tag) =	ssettag $0x0;
	lr =	simm.s32 $0x1  }
0x2: {  	[smem:$0x3F9C] =	sst lr;
	_ =	strace $0xD0000000  }
0x3: {  	_ = 	snop  }
0x4: {  	_ = 	snop  }
0x5: {  	_ = 	snop  }
0x6: {  	_ = 	snop  }
0x7: {  	_ = 	snop  }
__scs_overlays_trampoline_lowered:
0x8: {  	[smem:$0x3FAB] =	sst s0  }
0x9: {  	[smem:$0x3FAC] =	sst s1  }
0xa: {  	[smem:$0x3FAD] =	sst s2  }
0xb: {  	[smem:$0x3FAE] =	sst s3  }
0xc: {  	[smem:$0x3FAF] =	sst s4  }
0xd: {  	[smem:$0x3FB0] =	sst s5  }
0xe: {  	[smem:$0x3FB1] =	sst s6  }
0xf: {  	[smem:$0x3FB2] =	sst s7  }
0x10: {  	[smem:$0x3FB3] =	sst s8  }
0x11: {  	[smem:$0x3FB4] =	sst s9;
	s0 =	simm.s32 @!p0 $0x0  }
0x12: {  	s1 =	sld [smem:$0x3F9A];
	s0 =	simm.s32 @p0 $0x1  }
0x13: {  	[smem:$0x3FB5] =	sst s0;
	s0 =	simm.s32 @!p1 $0x0  }
0x14: {  	s2 =	sld [smem:$0x3F99];
	s0 =	simm.s32 @p1 $0x1  }
0x15: {  	[smem:$0x3FB6] =	sst s0;
	s0 =	simm.s32 @!p2 $0x0  }
0x16: {  	s3 =	sld [smem:$0x3FDB];
	s0 =	simm.s32 @p2 $0x1  }
0x17: {  	s4 =	simm.s32 $0x1BF5;
	[smem:$0x3FB8] =	sst s0  }
0x18: {  	s0 =	sld [smem:$0x3F9B];
	_ =	swait.ge [sflag:s4], $0x0  }
0x19: {  	s7 =	sld [smem:$0x3F9C]  }
0x1a: {  	s8 =	sadd.s32 $0xFFFFE003, lr  }
0x1b: {  	s9 =	sadd.s32 $0xFFFFFEF7, lr;
	s5 =	simm.s32 $0xFFFFFFFF;
	p2 =	slt.u32 s8, $0xFFFFF086  }
0x1c: {  	p1 =	slt.u32 s9, $0xF7A;
	s5 =	simm.s32 @!p2 $0x0  }
0x1d: {  	s5 =	simm.s32 @p1 $0x1;
	p0 =	seq.s32 s7, s2  }
0x1e: {  	s7 =	smul.u32 @!p0 $0xF7A, s2;
	p2 =	seq.s32 @!p0 s5, $0x0  }
0x1f: {  	s9 =	smul.u32 $0xF7A, s1;
	s8 =	simm.s32 @!p0 $0x1BF5;
	p2 =	por !p2, p0  }
0x20: {  	[sflag:s8] =	ssyncset.s32 @!p0 $0xFFFFF086;
	s6 =	sadd.s32 @!p0 s3, s7;
	s7 =	simm.s32 @!p0 $0x108  }
0x21: {  	s3 =	sadd.s32 s3, s9;
	s6 =	sadd.s32 @!p0 $0x88, s6;
	s7 =	simm.s32 @p2 $0x1082  }
0x22: {  	[simem:s7], [sflag:s8] =	dma.local @!p0 [hbm:s6], $0xF7A  }
0x23: {  	s9 =	sor.u32 $0xD0000000, s2;
	s6 =	simm.s32 $0x108;
	_ =	swait.ge @!p0 [sflag:s8], $0x0  }
0x24: {  	s3 =	sadd.s32 $0x88, s3;
	s6 =	simm.s32 @!p1 $0x1082;
	[sflag:s4] =	ssyncset.s32 $0xFFFFF086  }
0x25: {  	[simem:s6], [sflag:s4] =	dma.local [hbm:s3], $0xF7A  }
0x26: {  	[smem:$0x3F9C] =	sst s1;
	(tag) =	ssettag s2;
	_ =	strace s9  }
0x27: {  	s1 =	sld [smem:$0x3FAC]  }
0x28: {  	s2 =	sld [smem:$0x3FAD]  }
0x29: {  	s4 =	sld [smem:$0x3FAF]  }
0x2a: {  	p0 =	seq.s32 s5, $0x0;
	s5 =	sld [smem:$0x3FB0]  }
0x2b: {  	s6 =	sld [smem:$0x3FB1]  }
0x2c: {  	s7 =	sld [smem:$0x3FB2]  }
0x2d: {  	s3 =	simm.s32 $0x108;
	s8 =	sld [smem:$0x3FB3]  }
0x2e: {  	s3 =	simm.s32 @!p0 $0x1082;
	s9 =	sld [smem:$0x3FB4]  }
0x2f: {  	lr =	sadd.s32 s0, s3;
	s0 =	sld [smem:$0x3FAB]  }
0x30: {  	s3 =	sld [smem:$0x3FAE]  }
0x31: {  	[smem:$0x3FB7] =	sst s10  }
0x32: {  	s10 =	sld [smem:$0x3FB5];
	_ =	sdelay $0x3  }
0x33: {  	p0 =	seq.s32 s10, $0x1;
	s10 =	sld [smem:$0x3FB7];
	_ =	sdelay $0x3  }
0x34: {  	[smem:$0x3FB7] =	sst s10  }
0x35: {  	s10 =	sld [smem:$0x3FB6];
	_ =	sdelay $0x3  }
0x36: {  	p1 =	seq.s32 s10, $0x1;
	s10 =	sld [smem:$0x3FB7];
	_ =	sdelay $0x3  }
0x37: {  	[smem:$0x3FB7] =	sst s10  }
0x38: {  	s10 =	sld [smem:$0x3FB8]  }
0x39: {  	_ = 	snop;
	(pc) =	sbr.ind lr, $3  }
0x3a: {  	_ = 	snop  }
0x3b: {  	_ = 	snop  }
0x3c: {  	p2 =	seq.s32 s10, $0x1;
	s10 =	sld [smem:$0x3FB7]  }
0x3d: {  	_ =	shalt  }
0x3e: {  	_ =	shalt  }
0x3f: {  	_ =	shalt  }
0x40: {  	_ =	shalt  }
0x41: {  	_ =	shalt  }
0x42: {  	_ =	shalt  }
0x43: {  	_ =	shalt  }
0x44: {  	_ =	shalt  }
0x45: {  	_ =	shalt  }
0x46: {  	_ =	shalt  }
0x47: {  	_ =	shalt  }
0x48: {  	_ =	shalt  }
0x49: {  	_ =	shalt  }
0x4a: {  	_ =	shalt  }
0x4b: {  	_ =	shalt  }
0x4c: {  	_ =	shalt  }
0x4d: {  	_ =	shalt  }
0x4e: {  	_ =	shalt  }
0x4f: {  	_ =	shalt  }
0x50: {  	_ =	shalt  }
0x51: {  	_ =	shalt  }
0x52: {  	_ =	shalt  }
0x53: {  	_ =	shalt  }
0x54: {  	_ =	shalt  }
0x55: {  	_ =	shalt  }
0x56: {  	_ =	shalt  }
0x57: {  	_ =	shalt  }
0x58: {  	_ =	shalt  }
0x59: {  	_ =	shalt  }
0x5a: {  	_ =	shalt  }
0x5b: {  	_ =	shalt  }
0x5c: {  	_ =	shalt  }
0x5d: {  	_ =	shalt  }
0x5e: {  	_ =	shalt  }
0x5f: {  	_ =	shalt  }
0x60: {  	_ =	shalt  }
0x61: {  	_ =	shalt  }
0x62: {  	_ =	shalt  }
0x63: {  	_ =	shalt  }
0x64: {  	_ =	shalt  }
0x65: {  	_ =	shalt  }
0x66: {  	_ =	shalt  }
0x67: {  	_ =	shalt  }
0x68: {  	_ =	shalt  }
0x69: {  	_ =	shalt  }
0x6a: {  	_ =	shalt  }
0x6b: {  	_ =	shalt  }
0x6c: {  	_ =	shalt  }
0x6d: {  	_ =	shalt  }
0x6e: {  	_ =	shalt  }
0x6f: {  	_ =	shalt  }
0x70: {  	_ =	shalt  }
0x71: {  	_ =	shalt  }
0x72: {  	_ =	shalt  }
0x73: {  	_ =	shalt  }
0x74: {  	_ =	shalt  }
0x75: {  	_ =	shalt  }
0x76: {  	_ =	shalt  }
0x77: {  	_ =	shalt  }
0x78: {  	_ =	shalt  }
0x79: {  	_ =	shalt  }
0x7a: {  	_ =	shalt  }
0x7b: {  	_ =	shalt  }
0x7c: {  	_ =	shalt  }
0x7d: {  	_ =	shalt  }
0x7e: {  	_ =	shalt  }
0x7f: {  	_ =	shalt  }
0x80: {  	_ =	shalt  }
0x81: {  	_ =	shalt  }
0x82: {  	_ =	shalt  }
0x83: {  	_ =	shalt  }
0x84: {  	_ =	shalt  }
0x85: {  	_ =	shalt  }
0x86: {  	_ =	shalt  }
0x87: {  	_ =	shalt  }
.Lfunc_end0:
.L_simem_size_0:
called_computation_lowered:
.L_overlay_start_0:
0x88: {  	s0 =	sld [smem:$0x3FD9]  }
0x89: {  	s1 =	sld [smem:$0x3FFE];
	_ =	sdelay $0x3  }
0x8a: {  	s0 =	sadd.s32 s1, s0  }
0x8b: {  	[smem:$0x3FC3] =	sst s0  }
0x8c: {  	_ = 	snop  }
0x8d: {  	(tm) =	ssettm $0x1  }
0x8e: {  	s15 =	sld [smem:$0x3FFB];
	_ =	sdelay $0x3  }
0x8f: {  	_ =	strace s15  }
0x90: {  	s0 =	sld [smem:$0x3FFC];
	_ =	sdelay $0x3  }
0x91: {  	_ =	strace s0  }
0x92: {  	s0 =	sld [smem:$0x3FFD];
	_ =	sdelay $0x3  }
0x93: {  	_ =	strace s0  }
0x94: {  	_ =	strace $0x8FFFFFFF  }
0x95: {  	s16 =	sld [smem:$0x3FDB];
	_ =	sdelay $0x1  }
0x96: {  	s17 =	simm.s32 $_scs_section_size  }
0x97: {  	s2 =	simm.s32 $_size__tile_overlayer_lowered;
	s3 =	simm.s32 $_tile_overlayer_lowered  }
0x98: {  	s20 =	simm.s32 $0x1BFF;
	s19 =	sshll.u32 s3, $0x1;
	s0 =	sadd.s32 s17, s16  }
0x99: {  	s4 =	simm.s32 $0x0;
	s18 =	sshll.u32 s2, $0x1;
	s2 =	sadd.s32 s19, s0  }
0x9a: {  	[timem:s4], [sflag:s20] =	dma.local [hbm:s2], s18  }
0x9b: {  	_ =	swait.ge [sflag:s20], s18  }
0x9c: {  	s1 =	ssub.s32 $0x0, s18;
	[sflag:s20] =	ssyncset.done $0x0  }
0x9d: {  	[sflag:s20] =	ssyncadd.s32 s1;
	_ =	sdelay $0x1  }
0x9e: {  	s21 =	simm.s32 $0x1B8B  }
0x9f: {  	_ =	swait.ge [sflag:s21], $0x1  }
0xa0: {  	[sflag:s21] =	ssyncset.done $0x0  }
0xa1: {  	s23 =	simm.s32 $0x1B8E;
	s22 =	sld [smem:$0x3FFE];
	[sflag:s21] =	ssyncadd.s32 $0xFFFFFFFF  }
0xa2: {  	s24 =	simm.s32 $execute0_lowered;
	[smem:$0x3FD2] =	sst s23  }
0xa3: {  	s2 =	sshll.u32 s24, $0x1;
	_ =	strace $0x80000049;
	[dreg:$0x1] =	wrdreg $0xFFFFFFFF  }
0xa4: {  	s25 =	simm.s32 $_size_execute0_lowered;
	s0 =	sadd.s32 s0, s2;
	[dreg:$0x0] =	wrdreg $0x0  }
0xa5: {  	s2 =	sshll.u32 s25, $0x1;
	[dreg:$0x2] =	wrdreg s0  }
0xa6: {  	[dreg:$0x3] =	wrdreg s2  }
0xa7: {  	[dreg:$0x4] =	wrdreg $0xC0  }
0xa8: {  	_ =	task [dreg:s4], $0x5FFFF  }
0xa9: {  	[dreg:$0x1] =	wrdreg $0xFFFFFFFF  }
0xaa: {  	[dreg:$0x0] =	wrdreg $0x60  }
0xab: {  	[dreg:$0x2] =	wrdreg s22  }
0xac: {  	[dreg:$0x3] =	wrdreg $0x9  }
0xad: {  	_ =	task.clear_ibuf [dreg:s4], $0x4FFFF;
	_ =	strace $0x90000049  }
0xae: {  	s26 =	simm.s32 $0x9;
	_ =	strace $0x8000004B  }
0xaf: {  	_ =	swait.ge [sflag:s26], $0x1  }
0xb0: {  	[sflag:s26] =	ssyncadd.s32 $0xFFFFFFFF  }
0xb1: {  	_ =	strace $0x9000004B  }
0xb2: {  	_ =	sfence  }
0xb3: {  	s28 =	sld [smem:$0x0];
	_ =	sdelay $0x1  }
0xb4: {  	s29 =	srdreg.scid  }
0xb5: {  	s30 =	sshll.u32 s29, $0xD;
	s31 =	sshrl.u32 s29, $0x2  }
0xb6: {  	s1 =	sand.u32 $0x1, s29;
	s2 =	sand.u32 $0x4000, s30;
	s0 =	sadd.s32 s31, s28  }
0xb7: {  	s1 =	sor.u32 s2, s1;
	s0 =	sshll.u32 s0, $0x11  }
0xb8: {  	s0 =	sor.u32 s0, s1  }
0xb9: {  	s0 =	sadd.s32 $0x8F2B, s0  }
0xba: {  	[sflag:s0] =	ssyncadd.remote.s32 $0x1  }
0xbb: {  	_ =	sfence.sel $0xFFFF  }
0xbc: {  	[dreg:$0x0] =	wrdreg $0xFFFFFFFF;
	(pc) =	sbr.abs _section_cstart, $3  }
0xbd: {  	[dreg:$0x1] =	wrdreg $0xFFFFFFFF  }
0xbe: {  	_ =	task.clear_ibuf [dreg:s4], $0x2FFFF;
	_ =	strace $0x9FFFFFFF  }
0xbf: {  	(tm) =	ssettm $0x7FFFFFFF  }
tec
execute0_lowered:
.L_overlay_start_1:
0x0: {  	(tag) =	ssettag $0x1  }
0x1: {  	s1 =	rddreg [dreg:$0x0];
	_ =	strace $0x8000004A;
	s3 =	simm.s32 $0x1  }
0x2: {  	v1 =	vimm.s32 $0xFFFFFFFF;
	[sflag:s3] =	ssyncpa.u1 $0x0  }
0x3: {  	[tilespmem:$0x10] =	vst v1  }
0x4: {  	v0 =	vimm.s32 $0x80000000;
	[tilespmem:$0x20] =	vst v1  }
0x5: {  	s0 =	simm.s32 $0x2;
	s2 =	stileid.u32;
	[tilespmem:$0x30] =	vst v0  }
0x6: {  	s7 =	simm.s32 $0x7;
	s9 =	simm.s32 $0x8;
	s29 =	simm.s32 $0x9;
	[tilespmem:$0x40] =	vst v0  }
0x7: {  	s14 =	simm.s32 $0x0;
	s15 =	simm.s32 $0x100;
	s23 =	simm.s32 $0x240;
	[tilespmem:$0x50] =	vst v0  }
0x8: {  	s26 =	simm.s32 $0x340;
	s28 =	simm.s32 $0xF;
	s30 =	simm.s32 $0x1FF;
	[tilespmem:$0x60] =	vst v1  }
0x9: {  	s31 =	simm.s32 $0x20;
	s16 =	simm.s32 $0x2E0;
	s17 =	simm.s32 $0x2F0;
	[tilespmem:$0x70] =	vst v1  }
0xa: {  	s18 =	simm.s32 $0x30;
	s19 =	simm.s32 $0x2FF;
	s20 =	simm.s32 $0x80;
	[tilespmem:$0x80] =	vst v1  }
0xb: {  	s24 =	simm.s32 $0x0;
	s22 =	simm.s32 $0x0;
	s4 =	sadd.s32 $0x200, s1;
	v1 =	vimm.s32 $0x0;
	[tilespmem:$0xB0] =	vst v0  }
.Ltmp0:
0xc: {  	s5 =	sadd.s32 $0x400, s1;
	s21 =	sshll.u32 s2, $0x6;
	[tilespmem:$0x90] =	vst v1;
	(pc) =	sbr.rel .LBB2_1-.Ltmp0, $4  }
0xd: {  	s10 =	sshll.u32 s2, $0x1;
	s12 =	sshllo.u32 s2, $0x1;
	[tilespmem:$0xA0] =	vst v1;
	[sflag:s0] =	ssyncpa.u1 $0x0  }
0xe: {  	s2 =	simm.s32 $0x2D0;
	s8 =	sadd.s32 $0x40, s21;
	[sflag:s7] =	ssyncpa.u1 $0x0  }
0xf: {  	vm0 =	vmmov $0xffff;
	v2 =	vlaneseq.u32;
	s11 =	sor.u32 $0x81, s10;
	s13 =	sor.u32 $0x80, s10;
	[sflag:s9] =	ssyncpa.u1 $0x0  }
0x10: {  	vm1 =	vmxor vm1, vm1;
	vm2 =	vmmov $0x1;
	vm3 =	vcmask $0x3F3C;
	s6 =	smov.u32 s21;
	s0 =	simm.s32 $0x2C0;
	[sflag:s29] =	ssyncpa.u1 $0x0  }
.LBB2_7:
0x11: {  	_ =	swait.ge [sflag:s7], $0x40  }
0x12: {  	[sflag:s7] =	ssyncset.done $0x0  }
0x13: {  	[sflag:s7] =	ssyncadd.s32 $0xFFFFFFC0;
	(ifvalue) =	ssetifvalue $0xFFFFFFFF;
	v3 =	vld.msk [tilespmem:s15+$0x0 ss:$0x1], $0xffff;
	_ =	sdelay $0x4  }
0x14: {  	v4 =	vperm.xlane v3, v1  }
0x15: {  	vm4 =	vlt.u32 v3, $0x400  }
0x16: {  	v3 =	vnsel vm4, $0xFFFFFFFE, v3;
	vm4 =	vlt.u32 v4, $0x400  }
0x17: {  	[tilespmem:$0x70] =	vst v3;
	v3 =	vnsel vm4, $0xFFFFFFFE, v4  }
0x18: {  	s25 =	simm.s32 $0x130;
	[tilespmem:$0x80] =	vst v3  }
0x19: {  	v3 =	vld.msk [tilespmem:s25+$0x0 ss:$0x1], $0xffff;
	_ =	sdelay $0x4  }
0x1a: {  	(xrf1) =	vunique.msk.u32 $0xffff, v3;
	_ =	sdelay $0xd  }
0x1b: {  	v59, _, _ =	vpop (xrf1)  }
0x1c: {  	vm4 =	vlt.u32 v3, $0x400;
	vm5 =	veq.s32 v59, v2  }
0x1d: {  	vm5 =	vmand vm4, vm5  }
0x1e: {  	v60 =	vnsel vm5, $0xFFFFFFFF, v3;
	_ =	sdelay $0x3  }
0x1f: {  	s29 =	simm.s32 $0x1F0;
	(ifvalue) =	ssetifvalue $0xFFFFFFFF  }
0x20: {  	v4 =	vnsel vm4, $0xFFFFFFFE, v60;
	[tilespmem:s29], [sflag:$0x8] =	stream.indirect_vreg.gather [hbm4b:s1+s14], $0x1, v60, vm0, $0x4038;
	[tilespmem:$0x360] =	vst v63  }
0x21: {  	s29 =	simm.s32 $0x120;
	[tilespmem:$0x130] =	vst v4  }
0x22: {  	v4 =	vld.msk [tilespmem:s29+$0x0 ss:$0x1], $0xffff;
	_ =	sdelay $0x4  }
0x23: {  	(xrf1) =	vunique.msk.u32 $0xffff, v4;
	_ =	sdelay $0xc  }
0x24: {  	v3 =	vperm.xlane v3, v1  }
0x25: {  	v5, _, _ =	vpop (xrf1)  }
0x26: {  	vm5 =	vne.s32 v4, v3;
	vm4 =	veq.s32 v5, v2  }
0x27: {  	vm6 =	vlt.u32 v4, $0x400;
	vm4 =	vmand vm5, vm4  }
0x28: {  	vm4 =	vmand vm6, vm4  }
0x29: {  	v3 =	vnsel vm4, $0xFFFFFFFF, v4;
	_ =	sdelay $0x3  }
0x2a: {  	s29 =	simm.s32 $0x1E0;
	(ifvalue) =	ssetifvalue $0xFFFFFFFF  }
0x2b: {  	[tilespmem:s29], [sflag:$0x8] =	stream.indirect_vreg.gather [hbm4b:s1+s14], $0x1, v3, vm0, $0x4038;
	v3 =	vnsel vm6, $0xFFFFFFFE, v3;
	[tilespmem:$0x360] =	vst v63  }
0x2c: {  	s29 =	simm.s32 $0x110;
	[tilespmem:$0x120] =	vst v3  }
0x2d: {  	v3 =	vld.msk [tilespmem:s29+$0x0 ss:$0x1], $0xffff;
	_ =	sdelay $0x4  }
0x2e: {  	(xrf1) =	vunique.msk.u32 $0xffff, v3;
	_ =	sdelay $0xc  }
0x2f: {  	v4 =	vperm.xlane v4, v1  }
0x30: {  	v61, _, _ =	vpop (xrf1)  }
0x31: {  	vm5 =	vne.s32 v3, v4;
	vm4 =	veq.s32 v61, v2  }
0x32: {  	vm14 =	vlt.u32 v3, $0x400;
	vm4 =	vmand vm5, vm4  }
0x33: {  	vm4 =	vmand vm14, vm4  }
0x34: {  	v62 =	vnsel vm4, $0xFFFFFFFF, v3;
	_ =	sdelay $0x3  }
0x35: {  	s29 =	simm.s32 $0x1D0;
	(ifvalue) =	ssetifvalue $0xFFFFFFFF  }
0x36: {  	v4 =	vnsel vm14, $0xFFFFFFFE, v62;
	[tilespmem:s29], [sflag:$0x8] =	stream.indirect_vreg.gather [hbm4b:s1+s14], $0x1, v62, vm0, $0x4038;
	[tilespmem:$0x360] =	vst v63  }
0x37: {  	[tilespmem:$0x110] =	vst v4  }
0x38: {  	v4 =	vld.msk [tilespmem:s15+$0x0 ss:$0x1], $0xffff;
	_ =	sdelay $0x4  }
0x39: {  	(xrf1) =	vunique.msk.u32 $0xffff, v4;
	_ =	sdelay $0xc  }
0x3a: {  	v3 =	vperm.xlane v3, v1  }
0x3b: {  	v63, _, _ =	vpop (xrf1)  }
0x3c: {  	vm5 =	vne.s32 v4, v3;
	vm4 =	veq.s32 v63, v2  }
0x3d: {  	vm15 =	vlt.u32 v4, $0x400;
	vm4 =	vmand vm5, vm4  }
0x3e: {  	vm4 =	vmand vm15, vm4  }
0x3f: {  	v3 =	vnsel vm4, $0xFFFFFFFF, v4;
	_ =	sdelay $0x3  }
0x40: {  	s24 =	sshrl.u32 s24, $0x3;
	s29 =	simm.s32 $0x1C0;
	(ifvalue) =	ssetifvalue $0xFFFFFFFF  }
0x41: {  	[tilespmem:s29], [sflag:$0x8] =	stream.indirect_vreg.gather [hbm4b:s1+s14], $0x1, v3, vm0, $0x4038;
	v3 =	vnsel vm15, $0xFFFFFFFE, v3;
	[tilespmem:$0x360] =	vst v63  }
0x42: {  	s24 =	sadd.s32 s5, s24;
	[tilespmem:$0x100] =	vst v3  }
0x43: {  	[tilespmem:s23], [sflag:$0x8] =	stream.linear.gather [hbm:s24], $0x40, $0x38;
	[tilespmem:$0x360] =	vst v63  }
.LBB2_8:
0x44: {  	s24 =	sadd.s32 $0x40, s6  }
0x45: {  	s25 =	smov.u32 s21;
	s22 =	sadd.s32 $0x1, s22;
	p0 =	slt.s32 s24, s8  }
0x46: {  	s25 =	smov.u32 @p0 s24;
	p0 =	sne.s32 s22, $0x4  }
.Ltmp1:
0x47: {  	_ = 	snop;
	(pc) =	sbr.rel @!p0 .LBB2_9-.Ltmp1, $2  }
0x48: {  	_ =	sdelay $0x2  }
0x49: {  	s24 =	smov.u32 s6;
	s6 =	smov.u32 s25  }
.LBB2_1:
0x4a: {  	p0 =	sgt.s32 s22, $0x1  }
.Ltmp2:
0x4b: {  	_ = 	snop;
	(pc) =	sbr.rel @p0 .LBB2_5-.Ltmp2, $1  }
0x4c: {  	_ =	sdelay $0x3  }
0x4d: {  	p0 =	seq.s32 s22, $0x0  }
.Ltmp3:
0x4e: {  	_ = 	snop;
	(pc) =	sbr.rel @!p0 .LBB2_7-.Ltmp3, $1  }
0x4f: {  	_ =	sdelay $0x3  }
.Ltmp4:
0x50: {  	(pc) =	sbr.rel .LBB2_8-.Ltmp4, $4  }
0x51: {  	_ = 	snop  }
0x52: {  	s24 =	sshrl.u32 s6, $0x3  }
0x53: {  	s25 =	sand.u32 $0x7, s6;
	s24 =	sadd.s32 s4, s24  }
0x54: {  	[tilespmem:s15], [sflag:$0x7] =	stream.linear.gather [hbm4b:s24+s25], $0x40, $0x38;
	[tilespmem:$0x360] =	vst v63  }
.LBB2_5:
0x55: {  	p0 =	seq.s32 s22, $0x2  }
.Ltmp5:
0x56: {  	_ = 	snop;
	(pc) =	sbr.rel @!p0 .LBB2_6-.Ltmp5, $1  }
0x57: {  	_ =	sdelay $0x3  }
0x58: {  	_ =	swait.ge [sflag:s9], $0x80  }
0x59: {  	[sflag:s9] =	ssyncset.done $0x0  }
0x5a: {  	s24 =	simm.s32 $0x13F;
	[sflag:s9] =	ssyncadd.s32 $0xFFFFFF80  }
0x5b: {  	[spmem:s11] =	stream.linear.scatter [tilespmem:s24], [sflag:$0x1], $0x1, $0x38;
	[tilespmem:$0x360] =	vst v63  }
0x5c: {  	_ =	swait.ge [sflag:s3], $0x1  }
0x5d: {  	[sflag:s3] =	ssyncset.done $0x0  }
0x5e: {  	[sflag:s3] =	ssyncadd.s32 $0xFFFFFFFF  }
0x5f: {  	v3 =	vld [tilespmem:$0x10]  }
0x60: {  	v4 =	vld [tilespmem:$0x70]  }
0x61: {  	v5 =	vld [tilespmem:$0x80];
	_ =	sdelay $0x2  }
0x62: {  	(v2sf) =	vpush v3, $0x0  }
0x63: {  	(v2sf) =	vpush v4, $0x0  }
0x64: {  	(v2sf) =	vpush v5, $0x0;
	_ =	sdelay $0xc  }
0x65: {  	s25 =	spop (v2sf)  }
0x66: {  	s29 =	spop (v2sf)  }
0x67: {  	s24 =	spop (v2sf)  }
0x68: {  	p0 =	seq.s32 s25, s29;
	p1 =	seq.s32 s24, s25  }
0x69: {  	p1 =	por p0, p1  }
0x6a: {  	s29 =	simm.s32 $0x10;
	v3 =	vpsel p1, $0xFFFFFFFF, v3  }
0x6b: {  	[tilespmem:s29+$0x0] =	vst.msk $0x1, v3  }
0x6c: {  	v3 =	vld [tilespmem:$0x30]  }
0x6d: {  	v45 =	vld [tilespmem:$0x240]  }
0x6e: {  	v6 =	vld [tilespmem:$0x40];
	_ =	sdelay $0x3  }
0x6f: {  	vm4 =	vmmov vm1;
	vm6 =	vmmov vm2;
	vm5 =	vgt.s32 v3, v45  }
0x70: {  	vm4 =	vmmov @p0 vm2;
	v4 =	vsel vm5, v3, v45;
	vm5 =	vgt.s32 v3, v6  }
0x71: {  	vm6 =	vmmov @p1 vm1;
	v3 =	vsel vm5, v3, v6;
	[tilespmem:s23+$0x0] =	vst.msk vm4, v4  }
0x72: {  	[tilespmem:s26+$0x0] =	vst.msk vm6, v3  }
0x73: {  	v3 =	vld [tilespmem:$0x1F0];
	_ =	sdelay $0x4  }
0x74: {  	v3 =	vshift.insert v3, v1, s28  }
0x75: {  	s29 =	simm.s32 $0x50  }
0x76: {  	[tilespmem:s29+$0x0] =	vst.msk $0x1, v3  }
0x77: {  	[tilespmem:s30+$0x0] =	vst.msk $0x1, v0  }
0x78: {  	v3 =	vld [tilespmem:$0x130];
	_ =	sdelay $0x4  }
0x79: {  	v3 =	vshift.insert v3, v1, s28;
	_ =	sdelay $0x1  }
0x7a: {  	[tilespmem:s31+$0x0] =	vst.msk $0x1, v3  }
0x7b: {  	v4 =	vld [tilespmem:$0x100]  }
0x7c: {  	v46 =	vld [tilespmem:$0x240];
	_ =	sdelay $0x4  }
0x7d: {  	vm5 =	vne.s32 v4, $0xFFFFFFFF;
	v6 =	vxor.u32 $0x80000000, v46  }
0x7e: {  	(xrf0) =	vmax.seg.scan.u32 vm5, v6;
	_ =	sdelay $0x1  }
0x7f: {  	v47 =	vperm.xlane v3, v1  }
0x80: {  	v7 =	vld [tilespmem:$0x1C0]  }
0x81: {  	vm4 =	veq.s32 v4, v5;
	vm12 =	veq.s32 v4, v47  }
0x82: {  	vm7 =	vgt.u32 v4, $0xFFFFFFFD;
	vm6 =	vmor vm12, vm4  }
0x83: {  	vm6 =	vmor vm6, vm7;
	v8, _, _ =	vpop (xrf0)  }
0x84: {  	v4 =	vsel vm6, $0xFFFFFFFF, v4;
	v8 =	vxor.u32 $0x80000000, v8  }
0x85: {  	vm13 =	vgt.s32 v8, v7  }
0x86: {  	v7 =	vsel vm13, v8, v7  }
0x87: {  	v9 =	vld [tilespmem:$0xA0];
	v7 =	vsel vm4, v8, v7  }
0x88: {  	v10 =	vld [tilespmem:$0x90];
	[tilespmem:$0x2C0] =	vst v7;
	(ifvalue) =	ssetifvalue $0xFFFFFFFF  }
0x89: {  	[hbm4b:s1+s14] =	stream.indirect_vreg.scatter [tilespmem:s0], [sflag:$0x2], $0x1, v4, vm0, $0x4038;
	[tilespmem:$0x360] =	vst v63  }
0x8a: {  	v4 =	vld [tilespmem:$0x250]  }
0x8b: {  	vm5 =	vmand vm5, vm3  }
0x8c: {  	v48 =	vsel vm5, $0x80000000, v8;
	v11 =	vld [tilespmem:$0x110]  }
0x8d: {  	v7 =	vshift.insert v48, v0, s28;
	_ =	sdelay $0x1  }
0x8e: {  	vm5 =	vgt.s32 v4, v7  }
0x8f: {  	v4 =	vsel vm5, v4, v7  }
0x90: {  	vm14 =	vne.s32 v11, $0xFFFFFFFF;
	v4 =	vxor.u32 $0x80000000, v4  }
0x91: {  	(xrf0) =	vmax.seg.scan.u32 vm14, v4;
	_ =	sdelay $0x2  }
0x92: {  	v49 =	vld [tilespmem:$0x1D0]  }
0x93: {  	vm15 =	veq.s32 v11, v47;
	vm5 =	veq.s32 v11, v5  }
0x94: {  	vm8 =	vgt.u32 v11, $0xFFFFFFFD;
	vm7 =	vmor vm15, vm5  }
0x95: {  	vm7 =	vmor vm7, vm8;
	v50, _, _ =	vpop (xrf0)  }
0x96: {  	v11 =	vsel vm7, $0xFFFFFFFF, v11;
	v7 =	vxor.u32 $0x80000000, v50  }
0x97: {  	vm11 =	vgt.s32 v7, v49  }
0x98: {  	v4 =	vsel vm11, v7, v49  }
0x99: {  	v4 =	vsel vm5, v7, v4  }
0x9a: {  	[tilespmem:$0x2D0] =	vst v4;
	(ifvalue) =	ssetifvalue $0xFFFFFFFF  }
0x9b: {  	[hbm4b:s1+s14] =	stream.indirect_vreg.scatter [tilespmem:s2], [sflag:$0x2], $0x1, v11, vm0, $0x4038;
	[tilespmem:$0x360] =	vst v63  }
0x9c: {  	v51 =	vld [tilespmem:$0x260]  }
0x9d: {  	vm6 =	vmand vm14, vm3  }
0x9e: {  	v52 =	vsel vm6, $0x80000000, v7;
	v12 =	vld [tilespmem:$0x120]  }
0x9f: {  	v11 =	vshift.insert v52, v0, s28;
	_ =	sdelay $0x1  }
0xa0: {  	vm12 =	vgt.s32 v51, v11  }
0xa1: {  	v4 =	vsel vm12, v51, v11  }
0xa2: {  	vm13 =	vne.s32 v12, $0xFFFFFFFF;
	v4 =	vxor.u32 $0x80000000, v4  }
0xa3: {  	(xrf0) =	vmax.seg.scan.u32 vm13, v4;
	_ =	sdelay $0x2  }
0xa4: {  	v53 =	vld [tilespmem:$0x1E0]  }
0xa5: {  	vm6 =	veq.s32 v12, v5;
	vm14 =	veq.s32 v12, v47  }
0xa6: {  	vm9 =	vgt.u32 v12, $0xFFFFFFFD;
	vm8 =	vmor vm14, vm6  }
0xa7: {  	vm8 =	vmor vm8, vm9;
	v54, _, _ =	vpop (xrf0)  }
0xa8: {  	v12 =	vsel vm8, $0xFFFFFFFF, v12;
	v11 =	vxor.u32 $0x80000000, v54  }
0xa9: {  	vm15 =	vgt.s32 v11, v53  }
0xaa: {  	v4 =	vsel vm15, v11, v53  }
0xab: {  	v4 =	vsel vm6, v11, v4  }
0xac: {  	[tilespmem:$0x2E0] =	vst v4;
	(ifvalue) =	ssetifvalue $0xFFFFFFFF  }
0xad: {  	[hbm4b:s1+s14] =	stream.indirect_vreg.scatter [tilespmem:s16], [sflag:$0x2], $0x1, v12, vm0, $0x4038;
	[tilespmem:$0x360] =	vst v63  }
0xae: {  	v55 =	vld [tilespmem:$0x270]  }
0xaf: {  	vm7 =	vmand vm13, vm3  }
0xb0: {  	v56 =	vsel vm7, $0x80000000, v11;
	v13 =	vld [tilespmem:$0x130]  }
0xb1: {  	v12 =	vshift.insert v56, v0, s28;
	_ =	sdelay $0x1  }
0xb2: {  	vm10 =	vgt.s32 v55, v12  }
0xb3: {  	v4 =	vsel vm10, v55, v12  }
0xb4: {  	vm11 =	vne.s32 v13, $0xFFFFFFFF;
	v4 =	vxor.u32 $0x80000000, v4  }
0xb5: {  	(xrf0) =	vmax.seg.scan.u32 vm11, v4;
	_ =	sdelay $0x2  }
0xb6: {  	v57 =	vld [tilespmem:$0x1F0]  }
0xb7: {  	vm7 =	veq.s32 v13, v5;
	vm12 =	veq.s32 v13, v47  }
0xb8: {  	vm13 =	vgt.u32 v13, $0xFFFFFFFD;
	vm8 =	vmor vm12, vm7  }
0xb9: {  	vm8 =	vmor vm8, vm13;
	v58, _, _ =	vpop (xrf0)  }
0xba: {  	v59 =	vsel vm8, $0xFFFFFFFF, v13;
	v5 =	vxor.u32 $0x80000000, v58  }
0xbb: {  	vm14 =	vgt.s32 v5, v57  }
0xbc: {  	v4 =	vsel vm14, v5, v57  }
0xbd: {  	v4 =	vsel vm7, v5, v4  }
0xbe: {  	[tilespmem:$0x2F0] =	vst v4;
	(ifvalue) =	ssetifvalue $0xFFFFFFFF  }
0xbf: {  	[hbm4b:s1+s14] =	stream.indirect_vreg.scatter [tilespmem:s17], [sflag:$0x2], $0x1, v59, vm0, $0x4038;
	[tilespmem:$0x360] =	vst v63  }
0xc0: {  	v60 =	vld [tilespmem:$0x2F0];
	_ =	sdelay $0x2  }
0xc1: {  	vm15 =	veq.s32 v9, $0x1  }
0xc2: {  	v61 =	vsel vm4, v8, v10;
	vm8 =	vmor vm15, vm4  }
0xc3: {  	v6 =	vsel vm5, v7, v61;
	vm4 =	vmor vm8, vm5;
	v4 =	vshift.insert v60, v1, s28  }
0xc4: {  	v6 =	vsel vm6, v11, v6;
	vm4 =	vmor vm4, vm6  }
0xc5: {  	vm4 =	vmor vm4, vm7;
	v5 =	vsel vm7, v5, v6;
	[tilespmem:s18+$0x0] =	vst.msk $0x1, v4  }
0xc6: {  	v62 =	vsel vm4, $0x1, v1;
	[tilespmem:$0x90] =	vst v5  }
0xc7: {  	[tilespmem:$0xA0] =	vst v62  }
0xc8: {  	[spmem:s12] =	stream.linear.scatter [tilespmem:s19], [sflag:$0x1], $0x1, $0x38;
	[tilespmem:$0x360] =	vst v63  }
0xc9: {  	v63 =	vmctz.xlane vm4;
	_ =	swait.ge [sflag:s3], $0x1  }
0xca: {  	(v2sf) =	vpush v3, $0x0  }
0xcb: {  	(v2sf) =	vpush v63, $0x0;
	_ =	sdelay $0xd  }
0xcc: {  	s25 =	spop (v2sf)  }
0xcd: {  	s29 =	spop (v2sf)  }
0xce: {  	[sflag:s3] =	ssyncset.done $0x0;
	p0 =	sne.s32 s24, s25;
	p1 =	slt.s32 s29, $0xF  }
0xcf: {  	[sflag:s3] =	ssyncadd.s32 $0xFFFFFFFF;
	v3 =	vimm.s32 @!p0 $0xFFFFFFFF;
	s29 =	simm.s32 @!p1 $0xF  }
0xd0: {  	[tilespmem:$0x80] =	vst @!p0 v3;
	s29 =	sadd.s32 $0x90, s29  }
0xd1: {  	[spmem:s10] =	stream.linear.scatter [tilespmem:s29], [sflag:$0x1], $0x1, $0x38;
	[tilespmem:$0x360] =	vst v63  }
0xd2: {  	_ =	swait.ge [sflag:s3], $0x1  }
0xd3: {  	[sflag:s3] =	ssyncset.done $0x0  }
0xd4: {  	[sflag:s3] =	ssyncadd.s32 $0xFFFFFFFF  }
0xd5: {  	[spmem:s13] =	stream.linear.scatter [tilespmem:s20], [sflag:$0x1], $0x1, $0x38;
	[tilespmem:$0x360] =	vst v63  }
0xd6: {  	_ =	swait.ge [sflag:s3], $0x1  }
0xd7: {  	[sflag:s3] =	ssyncset.done $0x0  }
0xd8: {  	[sflag:s3] =	ssyncadd.s32 $0xFFFFFFFF;
	(ifvalue) =	ssetifvalue $0xFFFFFFFF;
	v3 =	vld [tilespmem:$0x10];
	_ =	sdelay $0x3  }
.Ltmp6:
0xd9: {  	_ = 	snop;
	(pc) =	sbr.rel .LBB2_8-.Ltmp6, $3  }
0xda: {  	_ =	sdelay $0x1  }
0xdb: {  	(ifvalue) =	ssetifvalue $0xFFFFFFFF  }
0xdc: {  	[hbm4b:s1+s14] =	stream.indirect_vreg.scatter [tilespmem:s26], [sflag:$0x9], $0x1, v3, vm0, $0x4038;
	[tilespmem:$0x360] =	vst v63  }
.LBB2_6:
0xdd: {  	s0 =	simm.s32 $0x2  }
0xde: {  	_ =	swait.ge [sflag:s0], $0x40  }
0xdf: {  	[sflag:s0] =	ssyncset.done $0x0  }
0xe0: {  	s31 =	simm.s32 $0x9;
	[sflag:s0] =	ssyncadd.s32 $0xFFFFFFC0  }
0xe1: {  	_ =	swait.ge [sflag:s31], $0x10  }
0xe2: {  	[sflag:s31] =	ssyncset.done $0x0  }
0xe3: {  	[sflag:s31] =	ssyncadd.s32 $0xFFFFFFF0  }
.LBB2_9:
0xe4: {  	_ =	sfence.sel $0x180000  }
0xe5: {  	s0 =	simm.s32 $0x7;
	[bflag:$0x0] =	sbarrier.arrive $0xFFFF  }
0xe6: {  	s26 =	simm.s32 $0x8;
	[sflag:s0] =	ssyncpa.u1 $0x1  }
0xe7: {  	s28 =	simm.s32 $0x9;
	[sflag:s26] =	ssyncpa.u1 $0x1  }
0xe8: {  	[sflag:s28] =	ssyncpa.u1 $0x1  }
0xe9: {  	_ =	sfence.stream.spmem  }
0xea: {  	s29 =	simm.s32 $0x3;
	[bflag:$0x0] =	sbarrier.arrive $0xFFFF  }
0xeb: {  	s30 =	simm.s32 $0x4;
	[sflag:s29] =	ssyncpa.u1 $0x1  }
0xec: {  	s31 =	simm.s32 $0x3C;
	s2 =	stileid.u32;
	[sflag:s30] =	ssyncpa.u1 $0x1  }
0xed: {  	p0 =	sne.s32 s2, $0x0;
	[sflag:s31] =	ssyncpa.u1 $0x1  }
0xee: {  	s0 =	simm.s32 @p0 $0x1;
	_ =	sfence @p0  }
0xef: {  	[sflag:s0] =	ssyncpa.u1 @p0 $0x1;
	s0 =	simm.s32 @p0 $0x2  }
0xf0: {  	[sflag:s0] =	ssyncpa.u1 @p0 $0x1  }
0xf1: {  	_ =	strace @p0 $0x9000004A  }
0xf2: {  	[bflag:$0x2] =	sbarrier.arrive @p0 $0xFFFF  }
0xf3: {  	_ =	shalt @p0  }
.LBB2_10:
0xf4: {  	_ =	sfence.stream.spmem;
	s2 =	simm.s32 $0x5  }
0xf5: {  	s0 =	simm.s32 $0x80;
	s3 =	simm.s32 $0xC0;
	[sflag:s2] =	ssyncpa.u1 $0x0  }
0xf6: {  	[tilespmem:s3], [sflag:$0x5] =	stream.linear.gather [spmem:s0], $0x20, $0x38;
	[tilespmem:$0x360] =	vst v63  }
0xf7: {  	s30 =	simm.s32 $0xE0;
	s0 =	simm.s32 $0x0  }
0xf8: {  	[tilespmem:s30], [sflag:$0x5] =	stream.linear.gather [spmem:s0], $0x20, $0x38;
	[tilespmem:$0x360] =	vst v63  }
.Ltmp7:
0xf9: {  	_ = 	snop;
	(pc) =	sbr.rel .LBB2_11-.Ltmp7, $4  }
0xfa: {  	_ =	swait.ge [sflag:s2], $0x40  }
0xfb: {  	[sflag:s2] =	ssyncset.done $0x0  }
0xfc: {  	s31 =	simm.s32 $0x6;
	[sflag:s2] =	ssyncadd.s32 $0xFFFFFFC0  }
0xfd: {  	s2 =	simm.s32 $0x0;
	[sflag:s31] =	ssyncpa.u1 $0x0  }
.LBB2_16:
0xfe: {  	p0 =	sgt.u32 s3, $0x3FF  }
0xff: {  	s4 =	sshrl.u32 @!p0 s3, $0x3  }
0x100: {  	s3 =	sand.u32 @!p0 $0x7, s3;
	s5 =	simm.s32 @!p0 $0xB0;
	s4 =	sadd.s32 @!p0 s1, s4  }
0x101: {  	[tilespmem:s5], [sflag:$0x6] =	stream.linear.gather @!p0 [hbm4b:s4+s3], $0x1, $0x38;
	[tilespmem:$0x360] =	vst v63  }
0x102: {  	s3 =	simm.s32 @!p0 $0x6  }
0x103: {  	_ =	swait.ge @!p0 [sflag:s3], $0x1  }
0x104: {  	[sflag:s3] =	ssyncset.done @!p0 $0x0  }
0x105: {  	[sflag:s3] =	ssyncadd.s32 @!p0 $0xFFFFFFFF  }
0x106: {  	v1 =	vld.msk @!p0 [tilespmem:$0xB0], $0x1  }
0x107: {  	v2 =	vld.msk @!p0 [tilespmem:s2+$0xE0], $0x1;
	_ =	sdelay $0x4  }
0x108: {  	vm0 =	vgt.s32 @!p0 v2, v1  }
0x109: {  	v1 =	vsel @!p0 vm0, v2, v1  }
0x10a: {  	[tilespmem:s2+$0xE0] =	vst.msk @!p0 $0x1, v1  }
0x10b: {  	[tilespmem:s0+$0xC0] =	vst.msk $0x1, v0  }
0x10c: {  	v0 =	vld.msk [tilespmem:s2+$0xE0], $0x1;
	_ =	sdelay $0x4  }
0x10d: {  	[tilespmem:s0+$0xE0] =	vst.msk $0x1, v0;
	s0 =	sadd.s32 $0x1, s0  }
.LBB2_18:
0x10e: {  	s2 =	sadd.s32 $0x1, s2  }
0x10f: {  	p0 =	sne.s32 s2, $0x20  }
.Ltmp8:
0x110: {  	_ = 	snop;
	(pc) =	sbr.rel @!p0 .LBB2_19-.Ltmp8, $1  }
0x111: {  	_ =	sdelay $0x3  }
.LBB2_11:
0x112: {  	v0 =	vld.msk [tilespmem:s2+$0xC0], $0x1;
	_ =	sdelay $0x4  }
0x113: {  	(v2sf) =	vpush v0, $0x0;
	_ =	sdelay $0xe  }
0x114: {  	s3 =	spop (v2sf)  }
0x115: {  	p0 =	seq.s32 s3, $0xFFFFFFFF  }
.Ltmp9:
0x116: {  	_ = 	snop;
	(pc) =	sbr.rel @p0 .LBB2_18-.Ltmp9, $1  }
0x117: {  	_ =	sdelay $0x3  }
0x118: {  	p0 =	slt.s32 s0, $0x1  }
.Ltmp10:
0x119: {  	_ = 	snop;
	(pc) =	sbr.rel @p0 .LBB2_16-.Ltmp10, $1  }
0x11a: {  	_ =	sdelay $0x3  }
0x11b: {  	s4 =	simm.s32 $0xC0;
	p0 =	por $0x0, $0x0  }
0x11c: {  	v1 =	vld.msk @!p0 [tilespmem:s4+$0x0], $0x1;
	_ =	sdelay $0x4  }
0x11d: {  	(v2sf) =	vpush @!p0 v1, $0x0;
	_ =	sdelay $0xd  }
0x11e: {  	p2 =	sne.s32 s0, $0x1  }
.Ltmp11:
0x11f: {  	s5 =	spop @!p0 (v2sf);
	(pc) =	sbr.rel @!p2 .LBB2_15-.Ltmp11, $4  }
0x120: {  	p1 =	seq.s32 @!p0 s3, s5  }
0x121: {  	s5 =	simm.s32 $0x0;
	p1 =	por !p1, p0  }
0x122: {  	s7 =	simm.s32 $0xFFFFFFFF;
	s5 =	simm.s32 @p1 $0xFFFFFFFF  }
0x123: {  	s6 =	simm.s32 $0x1;
	s5 =	smov.u32 @p0 s7  }
.LBB2_14:
0x124: {  	s7 =	smov.u32 s5;
	p0 =	sne.s32 s5, $0xFFFFFFFF  }
0x125: {  	s4 =	sadd.s32 $0x1, s4;
	s5 =	smov.u32 s6;
	s6 =	sadd.s32 $0x1, s6  }
0x126: {  	p1 =	sne.s32 s0, s6;
	v1 =	vld.msk @!p0 [tilespmem:s4+$0x0], $0x1;
	_ =	sdelay $0x4  }
0x127: {  	(v2sf) =	vpush @!p0 v1, $0x0;
	_ =	sdelay $0xe  }
.Ltmp12:
0x128: {  	s8 =	spop @!p0 (v2sf);
	(pc) =	sbr.rel @p1 .LBB2_14-.Ltmp12, $4  }
0x129: {  	p2 =	seq.s32 @!p0 s3, s8  }
0x12a: {  	p2 =	por !p2, p0  }
0x12b: {  	s5 =	simm.s32 @p2 $0xFFFFFFFF  }
0x12c: {  	s5 =	smov.u32 @p0 s7  }
.LBB2_15:
0x12d: {  	p0 =	sne.s32 s5, $0xFFFFFFFF  }
.Ltmp13:
0x12e: {  	_ = 	snop;
	(pc) =	sbr.rel @!p0 .LBB2_16-.Ltmp13, $1  }
0x12f: {  	_ =	sdelay $0x3  }
0x130: {  	v0 =	vld.msk [tilespmem:s2+$0xE0], $0x1  }
0x131: {  	v1 =	vld.msk [tilespmem:s5+$0xE0], $0x1;
	_ =	sdelay $0x2  }
.Ltmp14:
0x132: {  	_ = 	snop;
	(pc) =	sbr.rel .LBB2_18-.Ltmp14, $4  }
0x133: {  	_ = 	snop  }
0x134: {  	vm0 =	vgt.s32 v1, v0  }
0x135: {  	v0 =	vsel vm0, v1, v0  }
0x136: {  	[tilespmem:s5+$0xE0] =	vst.msk $0x1, v0  }
.LBB2_19:
0x137: {  	p0 =	slt.s32 s0, $0x1  }
.Ltmp15:
0x138: {  	_ = 	snop;
	(pc) =	sbr.rel @p0 .LBB2_23-.Ltmp15, $3  }
0x139: {  	_ =	sdelay $0x1  }
0x13a: {  	s2 =	simm.s32 $0x6  }
0x13b: {  	[sflag:s2] =	ssyncpa.u1 $0x1;
	s2 =	simm.s32 $0x0  }
0x13c: {  	s3 =	simm.s32 $0xC0  }
0x13d: {  	v0 =	vld.msk [tilespmem:s3+$0x0], $0x1;
	_ =	sdelay $0x4  }
0x13e: {  	(v2sf) =	vpush v0, $0x0;
	_ =	sdelay $0xe  }
0x13f: {  	s0 =	sadd.s32 $0xFFFFFFFF, s0;
	s4 =	spop (v2sf)  }
0x140: {  	p1 =	sne.s32 s0, $0x0;
	p0 =	sgt.u32 s4, $0x3FF  }
.Ltmp16:
0x141: {  	s5 =	sshrl.u32 @!p0 s4, $0x3;
	(pc) =	sbr.rel @!p1 .LBB2_22-.Ltmp16, $4  }
0x142: {  	s3 =	simm.s32 $0xE0;
	s4 =	sand.u32 @!p0 $0x7, s4;
	s5 =	sadd.s32 @!p0 s1, s5  }
0x143: {  	[hbm4b:s5+s4] =	stream.linear.scatter @!p0 [tilespmem:s3], [sflag:$0x5], $0x1, $0x38;
	[tilespmem:$0x360] =	vst v63  }
0x144: {  	s5 =	simm.s32 $0x0  }
0x145: {  	s4 =	simm.s32 $0xC1;
	s5 =	simm.s32 @!p0 $0x4  }
.LBB2_21:
0x146: {  	v0 =	vld.msk [tilespmem:s4+$0x0], $0x1;
	s0 =	sadd.s32 $0xFFFFFFFF, s0;
	s2 =	sadd.s32 s2, s5  }
0x147: {  	p0 =	sne.s32 s0, $0x0;
	_ =	sdelay $0x3  }
0x148: {  	(v2sf) =	vpush v0, $0x0;
	_ =	sdelay $0xe  }
.Ltmp17:
0x149: {  	s6 =	spop (v2sf);
	(pc) =	sbr.rel @p0 .LBB2_21-.Ltmp17, $4  }
0x14a: {  	s5 =	simm.s32 $0x0;
	p1 =	sgt.u32 s6, $0x3FF  }
0x14b: {  	s3 =	sadd.s32 $0x1, s3;
	s5 =	simm.s32 @!p1 $0x4;
	s7 =	sshrl.u32 @!p1 s6, $0x3  }
0x14c: {  	s4 =	sadd.s32 $0x1, s4;
	s6 =	sand.u32 @!p1 $0x7, s6;
	s7 =	sadd.s32 @!p1 s1, s7  }
0x14d: {  	[hbm4b:s7+s6] =	stream.linear.scatter @!p1 [tilespmem:s3], [sflag:$0x5], $0x1, $0x38;
	[tilespmem:$0x360] =	vst v63  }
.LBB2_22:
0x14e: {  	s0 =	sadd.s32 s2, s5  }
0x14f: {  	s2 =	sshrl.u32 s0, $0x2  }
.LBB2_23:
0x150: {  	s0 =	simm.s32 $0x5  }
0x151: {  	_ =	swait.ge [sflag:s0], s2  }
0x152: {  	s1 =	ssub.s32 $0x0, s2;
	[sflag:s0] =	ssyncset.done $0x0  }
0x153: {  	[sflag:s0] =	ssyncadd.s32 s1  }
0x154: {  	[sflag:s0] =	ssyncpa.u1 $0x1  }
0x155: {  	s29 =	simm.s32 $0x1;
	_ =	sfence  }
0x156: {  	s30 =	simm.s32 $0x2;
	[sflag:s29] =	ssyncpa.u1 $0x1  }
0x157: {  	[sflag:s30] =	ssyncpa.u1 $0x1  }
0x158: {  	_ =	strace $0x9000004A  }
0x159: {  	[bflag:$0x2] =	sbarrier.arrive $0xFFFF  }
0x15a: {  	s31 =	rddreg [dreg:$0x1]  }
0x15b: {  	s0 =	sadd.s32 $0x100000, s31  }
0x15c: {  	[sflag:s0] =	ssyncadd.tile.s32 $0x1;
	_ =	shalt  }
.Lfunc_end2:
_tile_overlayer_lowered:
.L_overlay_start_2:
0x15d: {  	(tag) =	ssettag $0x2  }
0x15e: {  	s0 =	rddreg [dreg:$0x0];
	s2 =	stileid.u32  }
0x15f: {  	s1 =	rddreg [dreg:$0x1];
	p0 =	sne.s32 s2, $0x0  }
0x160: {  	s3 =	rddreg [dreg:$0x2];
	[bflag:$0x3] =	sbarrier.arrive $0xFFFF;
	s2 =	simm.s32 @!p0 $0x1C01  }
0x161: {  	[timem:s3], [sflag:s2] =	dma.local @!p0 [hbm:s0], s1  }
0x162: {  	s0 =	simm.s32 @!p0 $0x1  }
0x163: {  	_ =	swait.ge @!p0 [sflag:s0], s1  }
0x164: {  	s1 =	ssub.s32 @!p0 $0x0, s1;
	[sflag:s0] =	ssyncset.done @!p0 $0x0  }
0x165: {  	[sflag:s0] =	ssyncadd.s32 @!p0 s1  }
0x166: {  	[bflag:$0x3] =	sbarrier.arrive $0xFFFF  }
0x167: {  	_ =	shalt  }

</sc_bundles>
